<compile_context>
chip_gen: v7x
topology: tpu7x:2x2x1
jax: 0.10.2.dev20260603
libtpu: 0.0.44.dev20260713+nightly
codegen_flags: <defaults>
</compile_context>

<pallas_src>
import jax
import jax.numpy as jnp
from jax.experimental import pallas as pl
from jax.experimental.pallas import tpu as pltpu

_L = 2047
_TOTAL = 1391
_INST_OFF = 1133
_INST_LEN = 129
_B = 4
_T = 256
_NC = 8
_LP = _NC * _T
_NEG = -1e9
_WIN = 256
_WOFF = 4
_IOFF = _INST_OFF - _WIN * _WOFF


def _mask_kernel(ev0_ref, id0_ref, meta_ref, s_ref, o_ref):
    b = pl.program_id(0)

    sub = jax.lax.broadcasted_iota(jnp.int32, (_WIN, 1), 0)
    sub_f = sub.astype(jnp.float32)
    in_seg = ((sub >= _IOFF) & (sub < _IOFF + _INST_LEN)).astype(jnp.float32)

    subw = jax.lax.broadcasted_iota(jnp.int32, (_WIN, _T), 0).astype(
        jnp.float32)
    row = jax.lax.broadcasted_iota(jnp.int32, (_T, _T), 0)
    col = jax.lax.broadcasted_iota(jnp.int32, (_T, _T), 1)
    triu = (row <= col).astype(jnp.float32).astype(jnp.bfloat16)

    hit0 = (sub == id0_ref[b] + _IOFF).astype(jnp.float32)
    ev0 = (ev0_ref[b] == 1).astype(jnp.float32)
    carry = hit0 * ev0

    meta = meta_ref[0]
    for c in range(_NC):
        w = min(_T, _L - c * _T)
        sl = slice(c * _T, c * _T + w)
        ct = meta[0:1, sl].astype(jnp.float32)
        ev = meta[1:2, sl].astype(jnp.float32)
        ids = (meta[2:3, sl] + _IOFF).astype(jnp.float32)

        e = ((subw[:, :w] == ids) .astype(jnp.float32) * ev
             ).astype(jnp.bfloat16)
        cum = jax.lax.dot_general(e, triu[:w, :w], (((1,), (0,)), ((), ())),
                                  preferred_element_type=jnp.float32)
        tot = cum + carry
        carry = tot[:, w - 1:w]

        present = (tot > 0.0).astype(jnp.float32)
        is_default = ((ct == 0.0) | (ct == 2.0)
                      | (ct == 7.0)).astype(jnp.float32)
        is_inst = (ct == 1.0).astype(jnp.float32)
        suppress = in_seg * (is_default + is_inst * present)

        s = s_ref[0, :, sl]
        o_ref[0, :, sl] = jnp.where(suppress > 0.0,
                                    jnp.full_like(s, _NEG), s)


def kernel(chosen_types, song_tokens, scores):
    ct = chosen_types.astype(jnp.int32)
    song = song_tokens.astype(jnp.int32)
    ev_full = (song[:, :, 0] == 1).astype(jnp.int32)
    ids_full = song[:, :, 6]

    zpad = jnp.zeros((_B, _LP - _L + 1), jnp.int32)
    evs = jnp.concatenate([ev_full[:, 1:], zpad], axis=1)
    ids_s = jnp.concatenate([ids_full[:, 1:], zpad], axis=1)
    ctp = jnp.concatenate([ct, zpad[:, :_LP - _L]], axis=1)
    ev0 = ev_full[:, 0]
    id0 = ids_full[:, 0]

    meta = jnp.stack([ctp, evs, ids_s], axis=1)

    win_t = jnp.transpose(scores[:, :, _WIN * _WOFF:_WIN * (_WOFF + 1)],
                          (0, 2, 1))

    slab_t = pl.pallas_call(
        _mask_kernel,
        grid=(_B,),
        in_specs=[
            pl.BlockSpec(memory_space=pltpu.SMEM),
            pl.BlockSpec(memory_space=pltpu.SMEM),
            pl.BlockSpec((1, 3, _LP), lambda b: (b, 0, 0)),
            pl.BlockSpec((1, _WIN, _L), lambda b: (b, 0, 0)),
        ],
        out_specs=pl.BlockSpec((1, _WIN, _L), lambda b: (b, 0, 0)),
        out_shape=jax.ShapeDtypeStruct((_B, _WIN, _L), jnp.float32),
    )(ev0, id0, meta, win_t)

    slab_cbt = jnp.transpose(slab_t, (1, 0, 2))
    padded_t = jnp.pad(slab_cbt, ((_WIN * _WOFF,
                                   _TOTAL - _WIN * (_WOFF + 1)),
                                  (0, 0), (0, 0)))
    padded = jnp.transpose(padded_t, (1, 2, 0))
    colid = jnp.arange(_TOTAL)[None, None, :]
    in_win = (colid >= _WIN * _WOFF) & (colid < _WIN * (_WOFF + 1))
    return jnp.where(in_win, padded, scores)

# --- scband reference (transcript-rebuilt; emitter-appended) ---
"""Pipeline reference for scband-masking-activation-layer-1279900254762 (READ-ONLY COPY).

The authoritative reference and input builder live on the scoring server;
editing this copy changes nothing except your own understanding.
"""

import jax, jax.numpy as jnp
import numpy as np

SEQ_LEN = 2048
L = SEQ_LEN - 1
SEG_SIZES = (512, 256, 128, 100, 137, 129, 128, 1)
INST_SEG = 5
INST_LEN = 129
INST_OFF = int(np.sum(SEG_SIZES[:INST_SEG]))
TOTAL = int(np.sum(SEG_SIZES))
B = 4

def _build_masks():
    default = [jnp.ones(s, dtype=jnp.float32) for s in SEG_SIZES]
    default[INST_SEG] = jnp.zeros(INST_LEN, dtype=jnp.float32)
    full = [jnp.ones(s, dtype=jnp.float32) for s in SEG_SIZES]
    return jnp.concatenate(default, axis=-1), jnp.concatenate(full, axis=-1)

DEFAULT_MASK, FULL_MASK = _build_masks()

def setup_inputs(seed: int = 0):
    key = jax.random.key(seed)
    k1, k2, k3 = jax.random.split(key, 3)
    chosen_types = jax.random.randint(k1, (B, L), 0, 8)
    song_tokens = jax.random.randint(k2, (B, L, 11), 0, 129)
    scores = jax.random.normal(k3, (B, L, TOTAL), dtype=jnp.float32)
    return {'chosen_types': chosen_types, 'song_tokens': song_tokens, 'scores': scores}

def _mask_for_token(idx, ctype, song):
    # tmp_token_mask: 1 for tokens <= idx+1
    tmp_token_mask = (jnp.arange(L) <= idx + 1).astype(jnp.float32)
    # mask_tokens_if_type_is_desired_type for desired_type=1 (instrument)
    token_is_inst = (song[:, 0] == 1).astype(jnp.float32) * tmp_token_mask
    occ = jnp.sum(token_is_inst)
    # get_mask_of_present_values_from_desired_type with reverse_mask=True
    idxs = jnp.where(token_is_inst.astype(bool), song[:, 6], INST_LEN)
    type_mask_tmp = jnp.ones(INST_LEN + 1, dtype=jnp.float32)
    # tf.tensor_scatter_nd_min -> scatter-min of zeros at present instrument ids
    type_mask_tmp = type_mask_tmp.at[idxs].min(jnp.zeros(L, dtype=jnp.float32))
    inst_mask = type_mask_tmp[:INST_LEN]
    # if no instrument occurrences yet, use full_mask segment instead
    inst_seg = jnp.where(occ == 0, FULL_MASK[INST_OFF:INST_OFF + INST_LEN], inst_mask)
    inst_branch = DEFAULT_MASK.at[INST_OFF:INST_OFF + INST_LEN].set(inst_seg)
    is_default = (ctype == 0) | (ctype == 2) | (ctype == 7)
    is_inst = ctype == 1
    return jnp.where(is_default, DEFAULT_MASK, jnp.where(is_inst, inst_branch, FULL_MASK))

def _forward(chosen_types, song_tokens, scores):
    def per_elem(types, song, sc):
        def per_token(idx, ctype, sc_row):
            mask = _mask_for_token(idx, ctype, song)
            # masking-activation: keep allowed logits, suppress the rest
            return jnp.where(mask > 0, sc_row, jnp.float32(-1e9))
        return jax.vmap(per_token)(jnp.arange(L), types, sc)
    return jax.vmap(per_elem)(chosen_types.astype(jnp.int32), song_tokens.astype(jnp.int32), scores)

def reference(chosen_types, song_tokens, scores):
    return _forward(chosen_types, song_tokens, scores)

if __name__ == "__main__":
    import jax
    _d = setup_inputs()
    print(jax.jit(kernel)(*tuple(_d.values())))

</pallas_src>

<mosaic_0001>
module attributes {stable_mosaic.version = 14 : i64} {
  func.func @_mask_kernel(%arg0: i32, %arg1: memref<4xi32, #tpu.memory_space<smem>>, %arg2: memref<4xi32, #tpu.memory_space<smem>>, %arg3: memref<1x3x2048xi32, #tpu.memory_space<vmem>>, %arg4: memref<1x256x2047xf32, #tpu.memory_space<vmem>>, %arg5: memref<1x256x2047xf32, #tpu.memory_space<vmem>>) attributes {dimension_semantics = [#tpu.dimension_semantics<arbitrary>], iteration_bounds = array<i64: 4>, scalar_prefetch = 0 : i64, scratch_operands = 0 : i64, tpu.core_type = #tpu.core_type<tc>, window_params = [{transform_indices = @transform_0, window_bounds = array<i64: 4>}, {transform_indices = @transform_1, window_bounds = array<i64: 4>}, {transform_indices = @transform_2, window_bounds = array<i64: 1, 3, 2048>}, {transform_indices = @transform_3, window_bounds = array<i64: 1, 256, 2047>}, {transform_indices = @transform_4, window_bounds = array<i64: 1, 256, 2047>}]} {
    %iota3A = tpu.iota {dimensions = array<i32: 0>} : vector<256x1xi32>
    %ge3A = arith.constant 109 : i32
    %ge3A_0 = vector.broadcast %ge3A : i32 to vector<256x1xi32>
    %ge3A_1 = arith.cmpi sge, %iota3A, %ge3A_0 : vector<256x1xi32>
    %lt3A = arith.constant 238 : i32
    %lt3A_2 = vector.broadcast %lt3A : i32 to vector<256x1xi32>
    %lt3A_3 = arith.cmpi slt, %iota3A, %lt3A_2 : vector<256x1xi32>
    %and3A = arith.andi %ge3A_1, %lt3A_3 : vector<256x1xi1>
    %convert_element_type3A = arith.extui %and3A : vector<256x1xi1> to vector<256x1xi32>
    %convert_element_type3A_4 = arith.sitofp %convert_element_type3A : vector<256x1xi32> to vector<256x1xf32>
    %iota3A_5 = tpu.iota {dimensions = array<i32: 0>} : vector<256x256xi32>
    %convert_element_type3A_6 = arith.sitofp %iota3A_5 : vector<256x256xi32> to vector<256x256xf32>
    %iota3A_7 = tpu.iota {dimensions = array<i32: 0>} : vector<256x256xi32>
    %iota3A_8 = tpu.iota {dimensions = array<i32: 1>} : vector<256x256xi32>
    %le3A = arith.cmpi sle, %iota3A_7, %iota3A_8 : vector<256x256xi32>
    %convert_element_type3A_9 = arith.extui %le3A : vector<256x256xi1> to vector<256x256xi32>
    %convert_element_type3A_10 = arith.sitofp %convert_element_type3A_9 : vector<256x256xi32> to vector<256x256xf32>
    %convert_element_type3A_11 = arith.truncf %convert_element_type3A_10 : vector<256x256xf32> to vector<256x256xbf16>
    %get3A = arith.index_cast %arg0 : i32 to index
    %get3A_12 = memref.load %arg2[%get3A] : memref<4xi32, #tpu.memory_space<smem>>
    %add3A = arith.constant 109 : i32
    %add3A_13 = arith.addi %get3A_12, %add3A : i32
    %eq3A = vector.broadcast %add3A_13 : i32 to vector<256x1xi32>
    %eq3A_14 = arith.cmpi eq, %iota3A, %eq3A : vector<256x1xi32>
    %convert_element_type3A_15 = arith.extui %eq3A_14 : vector<256x1xi1> to vector<256x1xi32>
    %convert_element_type3A_16 = arith.sitofp %convert_element_type3A_15 : vector<256x1xi32> to vector<256x1xf32>
    %get3A_17 = arith.index_cast %arg0 : i32 to index
    %get3A_18 = memref.load %arg1[%get3A_17] : memref<4xi32, #tpu.memory_space<smem>>
    %eq3A_19 = arith.constant 1 : i32
    %eq3A_20 = arith.cmpi eq, %get3A_18, %eq3A_19 : i32
    %convert_element_type3A_21 = arith.extui %eq3A_20 : i1 to i32
    %convert_element_type3A_22 = arith.sitofp %convert_element_type3A_21 : i32 to f32
    %mul3A = vector.broadcast %convert_element_type3A_22 : f32 to vector<256x1xf32>
    %mul3A_23 = arith.mulf %convert_element_type3A_16, %mul3A : vector<256x1xf32>
    %get3A_24 = arith.constant 0 : index
    %get3A_25 = arith.constant 0 : index
    %get3A_26 = arith.constant 0 : index
    %get3A_27 = vector.load %arg3[%get3A_24, %get3A_25, %get3A_26] : memref<1x3x2048xi32, #tpu.memory_space<vmem>>, vector<1x3x2048xi32>
    %get3A_28 = vector.shape_cast %get3A_27 : vector<1x3x2048xi32> to vector<3x2048xi32>
    %slice3A = vector.extract_strided_slice %get3A_28 {offsets = [0, 0], sizes = [1, 256], strides = [1, 1]} : vector<3x2048xi32> to vector<1x256xi32>
    %convert_element_type3A_29 = arith.sitofp %slice3A : vector<1x256xi32> to vector<1x256xf32>
    %slice3A_30 = vector.extract_strided_slice %get3A_28 {offsets = [1, 0], sizes = [1, 256], strides = [1, 1]} : vector<3x2048xi32> to vector<1x256xi32>
    %convert_element_type3A_31 = arith.sitofp %slice3A_30 : vector<1x256xi32> to vector<1x256xf32>
    %slice3A_32 = vector.extract_strided_slice %get3A_28 {offsets = [2, 0], sizes = [1, 256], strides = [1, 1]} : vector<3x2048xi32> to vector<1x256xi32>
    %add3A_33 = arith.constant 109 : i32
    %add3A_34 = vector.broadcast %add3A_33 : i32 to vector<1x256xi32>
    %add3A_35 = arith.addi %slice3A_32, %add3A_34 : vector<1x256xi32>
    %convert_element_type3A_36 = arith.sitofp %add3A_35 : vector<1x256xi32> to vector<1x256xf32>
    %eq3A_37 = vector.broadcast %convert_element_type3A_36 : vector<1x256xf32> to vector<256x256xf32>
    %eq3A_38 = arith.cmpf oeq, %convert_element_type3A_6, %eq3A_37 : vector<256x256xf32>
    %convert_element_type3A_39 = arith.extui %eq3A_38 : vector<256x256xi1> to vector<256x256xi32>
    %convert_element_type3A_40 = arith.sitofp %convert_element_type3A_39 : vector<256x256xi32> to vector<256x256xf32>
    %mul3A_41 = vector.broadcast %convert_element_type3A_31 : vector<1x256xf32> to vector<256x256xf32>
    %mul3A_42 = arith.mulf %convert_element_type3A_40, %mul3A_41 : vector<256x256xf32>
    %convert_element_type3A_43 = arith.truncf %mul3A_42 : vector<256x256xf32> to vector<256x256xbf16>
    %dot_general3A = arith.constant dense<0.000000e+00> : vector<256x256xf32>
    %dot_general3A_44 = tpu.matmul %convert_element_type3A_43, %convert_element_type3A_11, %dot_general3A {dimension_numbers = #tpu.dot_dimension_numbers<[1], [0], [0], [1], [0, 0, 1, 1], [], []>, transpose_lhs_hint = false} : vector<256x256xbf16>, vector<256x256xbf16>, vector<256x256xf32> -> vector<256x256xf32>
    %add3A_45 = vector.broadcast %mul3A_23 : vector<256x1xf32> to vector<256x256xf32>
    %add3A_46 = arith.addf %dot_general3A_44, %add3A_45 : vector<256x256xf32>
    %slice3A_47 = vector.extract_strided_slice %add3A_46 {offsets = [0, 255], sizes = [256, 1], strides = [1, 1]} : vector<256x256xf32> to vector<256x1xf32>
    %gt3A = arith.constant 0.000000e+00 : f32
    %gt3A_48 = vector.broadcast %gt3A : f32 to vector<256x256xf32>
    %gt3A_49 = arith.cmpf ogt, %add3A_46, %gt3A_48 : vector<256x256xf32>
    %convert_element_type3A_50 = arith.extui %gt3A_49 : vector<256x256xi1> to vector<256x256xi32>
    %convert_element_type3A_51 = arith.sitofp %convert_element_type3A_50 : vector<256x256xi32> to vector<256x256xf32>
    %eq3A_52 = arith.constant 0.000000e+00 : f32
    %eq3A_53 = vector.broadcast %eq3A_52 : f32 to vector<1x256xf32>
    %eq3A_54 = arith.cmpf oeq, %convert_element_type3A_29, %eq3A_53 : vector<1x256xf32>
    %eq3A_55 = arith.constant 2.000000e+00 : f32
    %eq3A_56 = vector.broadcast %eq3A_55 : f32 to vector<1x256xf32>
    %eq3A_57 = arith.cmpf oeq, %convert_element_type3A_29, %eq3A_56 : vector<1x256xf32>
    %or3A = arith.ori %eq3A_54, %eq3A_57 : vector<1x256xi1>
    %eq3A_58 = arith.constant 7.000000e+00 : f32
    %eq3A_59 = vector.broadcast %eq3A_58 : f32 to vector<1x256xf32>
    %eq3A_60 = arith.cmpf oeq, %convert_element_type3A_29, %eq3A_59 : vector<1x256xf32>
    %or3A_61 = arith.ori %or3A, %eq3A_60 : vector<1x256xi1>
    %convert_element_type3A_62 = arith.extui %or3A_61 : vector<1x256xi1> to vector<1x256xi32>
    %convert_element_type3A_63 = arith.sitofp %convert_element_type3A_62 : vector<1x256xi32> to vector<1x256xf32>
    %eq3A_64 = arith.constant 1.000000e+00 : f32
    %eq3A_65 = vector.broadcast %eq3A_64 : f32 to vector<1x256xf32>
    %eq3A_66 = arith.cmpf oeq, %convert_element_type3A_29, %eq3A_65 : vector<1x256xf32>
    %convert_element_type3A_67 = arith.extui %eq3A_66 : vector<1x256xi1> to vector<1x256xi32>
    %convert_element_type3A_68 = arith.sitofp %convert_element_type3A_67 : vector<1x256xi32> to vector<1x256xf32>
    %mul3A_69 = vector.broadcast %convert_element_type3A_68 : vector<1x256xf32> to vector<256x256xf32>
    %mul3A_70 = arith.mulf %mul3A_69, %convert_element_type3A_51 : vector<256x256xf32>
    %add3A_71 = vector.broadcast %convert_element_type3A_63 : vector<1x256xf32> to vector<256x256xf32>
    %add3A_72 = arith.addf %add3A_71, %mul3A_70 : vector<256x256xf32>
    %mul3A_73 = vector.broadcast %convert_element_type3A_4 : vector<256x1xf32> to vector<256x256xf32>
    %mul3A_74 = arith.mulf %mul3A_73, %add3A_72 : vector<256x256xf32>
    %get3A_75 = arith.constant 0 : index
    %get3A_76 = arith.constant 0 : index
    %get3A_77 = arith.constant 0 : index
    %get3A_78 = vector.load %arg4[%get3A_75, %get3A_76, %get3A_77] : memref<1x256x2047xf32, #tpu.memory_space<vmem>>, vector<1x256x256xf32>
    %get3A_79 = vector.shape_cast %get3A_78 : vector<1x256x256xf32> to vector<256x256xf32>
    %gt3A_80 = arith.constant 0.000000e+00 : f32
    %gt3A_81 = vector.broadcast %gt3A_80 : f32 to vector<256x256xf32>
    %gt3A_82 = arith.cmpf ogt, %mul3A_74, %gt3A_81 : vector<256x256xf32>
    %broadcast_in_dim3A = arith.constant -1.000000e+09 : f32
    %broadcast_in_dim3A_83 = vector.broadcast %broadcast_in_dim3A : f32 to vector<256x256xf32>
    %select_n3A = arith.select %gt3A_82, %broadcast_in_dim3A_83, %get3A_79 : vector<256x256xi1>, vector<256x256xf32>
    %swap3A = arith.constant 0 : index
    %swap3A_84 = arith.constant 0 : index
    %swap3A_85 = arith.constant 0 : index
    %swap3A_86 = vector.load %arg5[%swap3A, %swap3A_84, %swap3A_85] : memref<1x256x2047xf32, #tpu.memory_space<vmem>>, vector<1x256x256xf32>
    %swap3A_87 = vector.shape_cast %swap3A_86 : vector<1x256x256xf32> to vector<256x256xf32>
    %swap3A_88 = vector.shape_cast %select_n3A : vector<256x256xf32> to vector<1x256x256xf32>
    tpu.vector_store %arg5[%swap3A, %swap3A_84, %swap3A_85], %swap3A_88 {strides = array<i32>} : memref<1x256x2047xf32, #tpu.memory_space<vmem>>, vector<1x256x256xf32>,
    %slice3A_89 = vector.extract_strided_slice %get3A_28 {offsets = [0, 256], sizes = [1, 256], strides = [1, 1]} : vector<3x2048xi32> to vector<1x256xi32>
    %convert_element_type3A_90 = arith.sitofp %slice3A_89 : vector<1x256xi32> to vector<1x256xf32>
    %slice3A_91 = vector.extract_strided_slice %get3A_28 {offsets = [1, 256], sizes = [1, 256], strides = [1, 1]} : vector<3x2048xi32> to vector<1x256xi32>
    %convert_element_type3A_92 = arith.sitofp %slice3A_91 : vector<1x256xi32> to vector<1x256xf32>
    %slice3A_93 = vector.extract_strided_slice %get3A_28 {offsets = [2, 256], sizes = [1, 256], strides = [1, 1]} : vector<3x2048xi32> to vector<1x256xi32>
    %add3A_94 = arith.constant 109 : i32
    %add3A_95 = vector.broadcast %add3A_94 : i32 to vector<1x256xi32>
    %add3A_96 = arith.addi %slice3A_93, %add3A_95 : vector<1x256xi32>
    %convert_element_type3A_97 = arith.sitofp %add3A_96 : vector<1x256xi32> to vector<1x256xf32>
    %eq3A_98 = vector.broadcast %convert_element_type3A_97 : vector<1x256xf32> to vector<256x256xf32>
    %eq3A_99 = arith.cmpf oeq, %convert_element_type3A_6, %eq3A_98 : vector<256x256xf32>
    %convert_element_type3A_100 = arith.extui %eq3A_99 : vector<256x256xi1> to vector<256x256xi32>
    %convert_element_type3A_101 = arith.sitofp %convert_element_type3A_100 : vector<256x256xi32> to vector<256x256xf32>
    %mul3A_102 = vector.broadcast %convert_element_type3A_92 : vector<1x256xf32> to vector<256x256xf32>
    %mul3A_103 = arith.mulf %convert_element_type3A_101, %mul3A_102 : vector<256x256xf32>
    %convert_element_type3A_104 = arith.truncf %mul3A_103 : vector<256x256xf32> to vector<256x256xbf16>
    %dot_general3A_105 = arith.constant dense<0.000000e+00> : vector<256x256xf32>
    %dot_general3A_106 = tpu.matmul %convert_element_type3A_104, %convert_element_type3A_11, %dot_general3A_105 {dimension_numbers = #tpu.dot_dimension_numbers<[1], [0], [0], [1], [0, 0, 1, 1], [], []>, transpose_lhs_hint = false} : vector<256x256xbf16>, vector<256x256xbf16>, vector<256x256xf32> -> vector<256x256xf32>
    %add3A_107 = vector.broadcast %slice3A_47 : vector<256x1xf32> to vector<256x256xf32>
    %add3A_108 = arith.addf %dot_general3A_106, %add3A_107 : vector<256x256xf32>
    %slice3A_109 = vector.extract_strided_slice %add3A_108 {offsets = [0, 255], sizes = [256, 1], strides = [1, 1]} : vector<256x256xf32> to vector<256x1xf32>
    %gt3A_110 = arith.constant 0.000000e+00 : f32
    %gt3A_111 = vector.broadcast %gt3A_110 : f32 to vector<256x256xf32>
    %gt3A_112 = arith.cmpf ogt, %add3A_108, %gt3A_111 : vector<256x256xf32>
    %convert_element_type3A_113 = arith.extui %gt3A_112 : vector<256x256xi1> to vector<256x256xi32>
    %convert_element_type3A_114 = arith.sitofp %convert_element_type3A_113 : vector<256x256xi32> to vector<256x256xf32>
    %eq3A_115 = arith.constant 0.000000e+00 : f32
    %eq3A_116 = vector.broadcast %eq3A_115 : f32 to vector<1x256xf32>
    %eq3A_117 = arith.cmpf oeq, %convert_element_type3A_90, %eq3A_116 : vector<1x256xf32>
    %eq3A_118 = arith.constant 2.000000e+00 : f32
    %eq3A_119 = vector.broadcast %eq3A_118 : f32 to vector<1x256xf32>
    %eq3A_120 = arith.cmpf oeq, %convert_element_type3A_90, %eq3A_119 : vector<1x256xf32>
    %or3A_121 = arith.ori %eq3A_117, %eq3A_120 : vector<1x256xi1>
    %eq3A_122 = arith.constant 7.000000e+00 : f32
    %eq3A_123 = vector.broadcast %eq3A_122 : f32 to vector<1x256xf32>
    %eq3A_124 = arith.cmpf oeq, %convert_element_type3A_90, %eq3A_123 : vector<1x256xf32>
    %or3A_125 = arith.ori %or3A_121, %eq3A_124 : vector<1x256xi1>
    %convert_element_type3A_126 = arith.extui %or3A_125 : vector<1x256xi1> to vector<1x256xi32>
    %convert_element_type3A_127 = arith.sitofp %convert_element_type3A_126 : vector<1x256xi32> to vector<1x256xf32>
    %eq3A_128 = arith.constant 1.000000e+00 : f32
    %eq3A_129 = vector.broadcast %eq3A_128 : f32 to vector<1x256xf32>
    %eq3A_130 = arith.cmpf oeq, %convert_element_type3A_90, %eq3A_129 : vector<1x256xf32>
    %convert_element_type3A_131 = arith.extui %eq3A_130 : vector<1x256xi1> to vector<1x256xi32>
    %convert_element_type3A_132 = arith.sitofp %convert_element_type3A_131 : vector<1x256xi32> to vector<1x256xf32>
    %mul3A_133 = vector.broadcast %convert_element_type3A_132 : vector<1x256xf32> to vector<256x256xf32>
    %mul3A_134 = arith.mulf %mul3A_133, %convert_element_type3A_114 : vector<256x256xf32>
    %add3A_135 = vector.broadcast %convert_element_type3A_127 : vector<1x256xf32> to vector<256x256xf32>
    %add3A_136 = arith.addf %add3A_135, %mul3A_134 : vector<256x256xf32>
    %mul3A_137 = vector.broadcast %convert_element_type3A_4 : vector<256x1xf32> to vector<256x256xf32>
    %mul3A_138 = arith.mulf %mul3A_137, %add3A_136 : vector<256x256xf32>
    %get3A_139 = arith.constant 0 : index
    %get3A_140 = arith.constant 0 : index
    %get3A_141 = arith.constant 256 : index
    %get3A_142 = vector.load %arg4[%get3A_139, %get3A_140, %get3A_141] : memref<1x256x2047xf32, #tpu.memory_space<vmem>>, vector<1x256x256xf32>
    %get3A_143 = vector.shape_cast %get3A_142 : vector<1x256x256xf32> to vector<256x256xf32>
    %gt3A_144 = arith.constant 0.000000e+00 : f32
    %gt3A_145 = vector.broadcast %gt3A_144 : f32 to vector<256x256xf32>
    %gt3A_146 = arith.cmpf ogt, %mul3A_138, %gt3A_145 : vector<256x256xf32>
    %broadcast_in_dim3A_147 = arith.constant -1.000000e+09 : f32
    %broadcast_in_dim3A_148 = vector.broadcast %broadcast_in_dim3A_147 : f32 to vector<256x256xf32>
    %select_n3A_149 = arith.select %gt3A_146, %broadcast_in_dim3A_148, %get3A_143 : vector<256x256xi1>, vector<256x256xf32>
    %swap3A_150 = arith.constant 0 : index
    %swap3A_151 = arith.constant 0 : index
    %swap3A_152 = arith.constant 256 : index
    %swap3A_153 = vector.load %arg5[%swap3A_150, %swap3A_151, %swap3A_152] : memref<1x256x2047xf32, #tpu.memory_space<vmem>>, vector<1x256x256xf32>
    %swap3A_154 = vector.shape_cast %swap3A_153 : vector<1x256x256xf32> to vector<256x256xf32>
    %swap3A_155 = vector.shape_cast %select_n3A_149 : vector<256x256xf32> to vector<1x256x256xf32>
    tpu.vector_store %arg5[%swap3A_150, %swap3A_151, %swap3A_152], %swap3A_155 {strides = array<i32>} : memref<1x256x2047xf32, #tpu.memory_space<vmem>>, vector<1x256x256xf32>,
    %slice3A_156 = vector.extract_strided_slice %get3A_28 {offsets = [0, 512], sizes = [1, 256], strides = [1, 1]} : vector<3x2048xi32> to vector<1x256xi32>
    %convert_element_type3A_157 = arith.sitofp %slice3A_156 : vector<1x256xi32> to vector<1x256xf32>
    %slice3A_158 = vector.extract_strided_slice %get3A_28 {offsets = [1, 512], sizes = [1, 256], strides = [1, 1]} : vector<3x2048xi32> to vector<1x256xi32>
    %convert_element_type3A_159 = arith.sitofp %slice3A_158 : vector<1x256xi32> to vector<1x256xf32>
    %slice3A_160 = vector.extract_strided_slice %get3A_28 {offsets = [2, 512], sizes = [1, 256], strides = [1, 1]} : vector<3x2048xi32> to vector<1x256xi32>
    %add3A_161 = arith.constant 109 : i32
    %add3A_162 = vector.broadcast %add3A_161 : i32 to vector<1x256xi32>
    %add3A_163 = arith.addi %slice3A_160, %add3A_162 : vector<1x256xi32>
    %convert_element_type3A_164 = arith.sitofp %add3A_163 : vector<1x256xi32> to vector<1x256xf32>
    %eq3A_165 = vector.broadcast %convert_element_type3A_164 : vector<1x256xf32> to vector<256x256xf32>
    %eq3A_166 = arith.cmpf oeq, %convert_element_type3A_6, %eq3A_165 : vector<256x256xf32>
    %convert_element_type3A_167 = arith.extui %eq3A_166 : vector<256x256xi1> to vector<256x256xi32>
    %convert_element_type3A_168 = arith.sitofp %convert_element_type3A_167 : vector<256x256xi32> to vector<256x256xf32>
    %mul3A_169 = vector.broadcast %convert_element_type3A_159 : vector<1x256xf32> to vector<256x256xf32>
    %mul3A_170 = arith.mulf %convert_element_type3A_168, %mul3A_169 : vector<256x256xf32>
    %convert_element_type3A_171 = arith.truncf %mul3A_170 : vector<256x256xf32> to vector<256x256xbf16>
    %dot_general3A_172 = arith.constant dense<0.000000e+00> : vector<256x256xf32>
    %dot_general3A_173 = tpu.matmul %convert_element_type3A_171, %convert_element_type3A_11, %dot_general3A_172 {dimension_numbers = #tpu.dot_dimension_numbers<[1], [0], [0], [1], [0, 0, 1, 1], [], []>, transpose_lhs_hint = false} : vector<256x256xbf16>, vector<256x256xbf16>, vector<256x256xf32> -> vector<256x256xf32>
    %add3A_174 = vector.broadcast %slice3A_109 : vector<256x1xf32> to vector<256x256xf32>
    %add3A_175 = arith.addf %dot_general3A_173, %add3A_174 : vector<256x256xf32>
    %slice3A_176 = vector.extract_strided_slice %add3A_175 {offsets = [0, 255], sizes = [256, 1], strides = [1, 1]} : vector<256x256xf32> to vector<256x1xf32>
    %gt3A_177 = arith.constant 0.000000e+00 : f32
    %gt3A_178 = vector.broadcast %gt3A_177 : f32 to vector<256x256xf32>
    %gt3A_179 = arith.cmpf ogt, %add3A_175, %gt3A_178 : vector<256x256xf32>
    %convert_element_type3A_180 = arith.extui %gt3A_179 : vector<256x256xi1> to vector<256x256xi32>
    %convert_element_type3A_181 = arith.sitofp %convert_element_type3A_180 : vector<256x256xi32> to vector<256x256xf32>
    %eq3A_182 = arith.constant 0.000000e+00 : f32
    %eq3A_183 = vector.broadcast %eq3A_182 : f32 to vector<1x256xf32>
    %eq3A_184 = arith.cmpf oeq, %convert_element_type3A_157, %eq3A_183 : vector<1x256xf32>
    %eq3A_185 = arith.constant 2.000000e+00 : f32
    %eq3A_186 = vector.broadcast %eq3A_185 : f32 to vector<1x256xf32>
    %eq3A_187 = arith.cmpf oeq, %convert_element_type3A_157, %eq3A_186 : vector<1x256xf32>
    %or3A_188 = arith.ori %eq3A_184, %eq3A_187 : vector<1x256xi1>
    %eq3A_189 = arith.constant 7.000000e+00 : f32
    %eq3A_190 = vector.broadcast %eq3A_189 : f32 to vector<1x256xf32>
    %eq3A_191 = arith.cmpf oeq, %convert_element_type3A_157, %eq3A_190 : vector<1x256xf32>
    %or3A_192 = arith.ori %or3A_188, %eq3A_191 : vector<1x256xi1>
    %convert_element_type3A_193 = arith.extui %or3A_192 : vector<1x256xi1> to vector<1x256xi32>
    %convert_element_type3A_194 = arith.sitofp %convert_element_type3A_193 : vector<1x256xi32> to vector<1x256xf32>
    %eq3A_195 = arith.constant 1.000000e+00 : f32
    %eq3A_196 = vector.broadcast %eq3A_195 : f32 to vector<1x256xf32>
    %eq3A_197 = arith.cmpf oeq, %convert_element_type3A_157, %eq3A_196 : vector<1x256xf32>
    %convert_element_type3A_198 = arith.extui %eq3A_197 : vector<1x256xi1> to vector<1x256xi32>
    %convert_element_type3A_199 = arith.sitofp %convert_element_type3A_198 : vector<1x256xi32> to vector<1x256xf32>
    %mul3A_200 = vector.broadcast %convert_element_type3A_199 : vector<1x256xf32> to vector<256x256xf32>
    %mul3A_201 = arith.mulf %mul3A_200, %convert_element_type3A_181 : vector<256x256xf32>
    %add3A_202 = vector.broadcast %convert_element_type3A_194 : vector<1x256xf32> to vector<256x256xf32>
    %add3A_203 = arith.addf %add3A_202, %mul3A_201 : vector<256x256xf32>
    %mul3A_204 = vector.broadcast %convert_element_type3A_4 : vector<256x1xf32> to vector<256x256xf32>
    %mul3A_205 = arith.mulf %mul3A_204, %add3A_203 : vector<256x256xf32>
    %get3A_206 = arith.constant 0 : index
    %get3A_207 = arith.constant 0 : index
    %get3A_208 = arith.constant 512 : index
    %get3A_209 = vector.load %arg4[%get3A_206, %get3A_207, %get3A_208] : memref<1x256x2047xf32, #tpu.memory_space<vmem>>, vector<1x256x256xf32>
    %get3A_210 = vector.shape_cast %get3A_209 : vector<1x256x256xf32> to vector<256x256xf32>
    %gt3A_211 = arith.constant 0.000000e+00 : f32
    %gt3A_212 = vector.broadcast %gt3A_211 : f32 to vector<256x256xf32>
    %gt3A_213 = arith.cmpf ogt, %mul3A_205, %gt3A_212 : vector<256x256xf32>
    %broadcast_in_dim3A_214 = arith.constant -1.000000e+09 : f32
    %broadcast_in_dim3A_215 = vector.broadcast %broadcast_in_dim3A_214 : f32 to vector<256x256xf32>
    %select_n3A_216 = arith.select %gt3A_213, %broadcast_in_dim3A_215, %get3A_210 : vector<256x256xi1>, vector<256x256xf32>
    %swap3A_217 = arith.constant 0 : index
    %swap3A_218 = arith.constant 0 : index
    %swap3A_219 = arith.constant 512 : index
    %swap3A_220 = vector.load %arg5[%swap3A_217, %swap3A_218, %swap3A_219] : memref<1x256x2047xf32, #tpu.memory_space<vmem>>, vector<1x256x256xf32>
    %swap3A_221 = vector.shape_cast %swap3A_220 : vector<1x256x256xf32> to vector<256x256xf32>
    %swap3A_222 = vector.shape_cast %select_n3A_216 : vector<256x256xf32> to vector<1x256x256xf32>
    tpu.vector_store %arg5[%swap3A_217, %swap3A_218, %swap3A_219], %swap3A_222 {strides = array<i32>} : memref<1x256x2047xf32, #tpu.memory_space<vmem>>, vector<1x256x256xf32>,
    %slice3A_223 = vector.extract_strided_slice %get3A_28 {offsets = [0, 768], sizes = [1, 256], strides = [1, 1]} : vector<3x2048xi32> to vector<1x256xi32>
    %convert_element_type3A_224 = arith.sitofp %slice3A_223 : vector<1x256xi32> to vector<1x256xf32>
    %slice3A_225 = vector.extract_strided_slice %get3A_28 {offsets = [1, 768], sizes = [1, 256], strides = [1, 1]} : vector<3x2048xi32> to vector<1x256xi32>
    %convert_element_type3A_226 = arith.sitofp %slice3A_225 : vector<1x256xi32> to vector<1x256xf32>
    %slice3A_227 = vector.extract_strided_slice %get3A_28 {offsets = [2, 768], sizes = [1, 256], strides = [1, 1]} : vector<3x2048xi32> to vector<1x256xi32>
    %add3A_228 = arith.constant 109 : i32
    %add3A_229 = vector.broadcast %add3A_228 : i32 to vector<1x256xi32>
    %add3A_230 = arith.addi %slice3A_227, %add3A_229 : vector<1x256xi32>
    %convert_element_type3A_231 = arith.sitofp %add3A_230 : vector<1x256xi32> to vector<1x256xf32>
    %eq3A_232 = vector.broadcast %convert_element_type3A_231 : vector<1x256xf32> to vector<256x256xf32>
    %eq3A_233 = arith.cmpf oeq, %convert_element_type3A_6, %eq3A_232 : vector<256x256xf32>
    %convert_element_type3A_234 = arith.extui %eq3A_233 : vector<256x256xi1> to vector<256x256xi32>
    %convert_element_type3A_235 = arith.sitofp %convert_element_type3A_234 : vector<256x256xi32> to vector<256x256xf32>
    %mul3A_236 = vector.broadcast %convert_element_type3A_226 : vector<1x256xf32> to vector<256x256xf32>
    %mul3A_237 = arith.mulf %convert_element_type3A_235, %mul3A_236 : vector<256x256xf32>
    %convert_element_type3A_238 = arith.truncf %mul3A_237 : vector<256x256xf32> to vector<256x256xbf16>
    %dot_general3A_239 = arith.constant dense<0.000000e+00> : vector<256x256xf32>
    %dot_general3A_240 = tpu.matmul %convert_element_type3A_238, %convert_element_type3A_11, %dot_general3A_239 {dimension_numbers = #tpu.dot_dimension_numbers<[1], [0], [0], [1], [0, 0, 1, 1], [], []>, transpose_lhs_hint = false} : vector<256x256xbf16>, vector<256x256xbf16>, vector<256x256xf32> -> vector<256x256xf32>
    %add3A_241 = vector.broadcast %slice3A_176 : vector<256x1xf32> to vector<256x256xf32>
    %add3A_242 = arith.addf %dot_general3A_240, %add3A_241 : vector<256x256xf32>
    %slice3A_243 = vector.extract_strided_slice %add3A_242 {offsets = [0, 255], sizes = [256, 1], strides = [1, 1]} : vector<256x256xf32> to vector<256x1xf32>
    %gt3A_244 = arith.constant 0.000000e+00 : f32
    %gt3A_245 = vector.broadcast %gt3A_244 : f32 to vector<256x256xf32>
    %gt3A_246 = arith.cmpf ogt, %add3A_242, %gt3A_245 : vector<256x256xf32>
    %convert_element_type3A_247 = arith.extui %gt3A_246 : vector<256x256xi1> to vector<256x256xi32>
    %convert_element_type3A_248 = arith.sitofp %convert_element_type3A_247 : vector<256x256xi32> to vector<256x256xf32>
    %eq3A_249 = arith.constant 0.000000e+00 : f32
    %eq3A_250 = vector.broadcast %eq3A_249 : f32 to vector<1x256xf32>
    %eq3A_251 = arith.cmpf oeq, %convert_element_type3A_224, %eq3A_250 : vector<1x256xf32>
    %eq3A_252 = arith.constant 2.000000e+00 : f32
    %eq3A_253 = vector.broadcast %eq3A_252 : f32 to vector<1x256xf32>
    %eq3A_254 = arith.cmpf oeq, %convert_element_type3A_224, %eq3A_253 : vector<1x256xf32>
    %or3A_255 = arith.ori %eq3A_251, %eq3A_254 : vector<1x256xi1>
    %eq3A_256 = arith.constant 7.000000e+00 : f32
    %eq3A_257 = vector.broadcast %eq3A_256 : f32 to vector<1x256xf32>
    %eq3A_258 = arith.cmpf oeq, %convert_element_type3A_224, %eq3A_257 : vector<1x256xf32>
    %or3A_259 = arith.ori %or3A_255, %eq3A_258 : vector<1x256xi1>
    %convert_element_type3A_260 = arith.extui %or3A_259 : vector<1x256xi1> to vector<1x256xi32>
    %convert_element_type3A_261 = arith.sitofp %convert_element_type3A_260 : vector<1x256xi32> to vector<1x256xf32>
    %eq3A_262 = arith.constant 1.000000e+00 : f32
    %eq3A_263 = vector.broadcast %eq3A_262 : f32 to vector<1x256xf32>
    %eq3A_264 = arith.cmpf oeq, %convert_element_type3A_224, %eq3A_263 : vector<1x256xf32>
    %convert_element_type3A_265 = arith.extui %eq3A_264 : vector<1x256xi1> to vector<1x256xi32>
    %convert_element_type3A_266 = arith.sitofp %convert_element_type3A_265 : vector<1x256xi32> to vector<1x256xf32>
    %mul3A_267 = vector.broadcast %convert_element_type3A_266 : vector<1x256xf32> to vector<256x256xf32>
    %mul3A_268 = arith.mulf %mul3A_267, %convert_element_type3A_248 : vector<256x256xf32>
    %add3A_269 = vector.broadcast %convert_element_type3A_261 : vector<1x256xf32> to vector<256x256xf32>
    %add3A_270 = arith.addf %add3A_269, %mul3A_268 : vector<256x256xf32>
    %mul3A_271 = vector.broadcast %convert_element_type3A_4 : vector<256x1xf32> to vector<256x256xf32>
    %mul3A_272 = arith.mulf %mul3A_271, %add3A_270 : vector<256x256xf32>
    %get3A_273 = arith.constant 0 : index
    %get3A_274 = arith.constant 0 : index
    %get3A_275 = arith.constant 768 : index
    %get3A_276 = vector.load %arg4[%get3A_273, %get3A_274, %get3A_275] : memref<1x256x2047xf32, #tpu.memory_space<vmem>>, vector<1x256x256xf32>
    %get3A_277 = vector.shape_cast %get3A_276 : vector<1x256x256xf32> to vector<256x256xf32>
    %gt3A_278 = arith.constant 0.000000e+00 : f32
    %gt3A_279 = vector.broadcast %gt3A_278 : f32 to vector<256x256xf32>
    %gt3A_280 = arith.cmpf ogt, %mul3A_272, %gt3A_279 : vector<256x256xf32>
    %broadcast_in_dim3A_281 = arith.constant -1.000000e+09 : f32
    %broadcast_in_dim3A_282 = vector.broadcast %broadcast_in_dim3A_281 : f32 to vector<256x256xf32>
    %select_n3A_283 = arith.select %gt3A_280, %broadcast_in_dim3A_282, %get3A_277 : vector<256x256xi1>, vector<256x256xf32>
    %swap3A_284 = arith.constant 0 : index
    %swap3A_285 = arith.constant 0 : index
    %swap3A_286 = arith.constant 768 : index
    %swap3A_287 = vector.load %arg5[%swap3A_284, %swap3A_285, %swap3A_286] : memref<1x256x2047xf32, #tpu.memory_space<vmem>>, vector<1x256x256xf32>
    %swap3A_288 = vector.shape_cast %swap3A_287 : vector<1x256x256xf32> to vector<256x256xf32>
    %swap3A_289 = vector.shape_cast %select_n3A_283 : vector<256x256xf32> to vector<1x256x256xf32>
    tpu.vector_store %arg5[%swap3A_284, %swap3A_285, %swap3A_286], %swap3A_289 {strides = array<i32>} : memref<1x256x2047xf32, #tpu.memory_space<vmem>>, vector<1x256x256xf32>,
    %slice3A_290 = vector.extract_strided_slice %get3A_28 {offsets = [0, 1024], sizes = [1, 256], strides = [1, 1]} : vector<3x2048xi32> to vector<1x256xi32>
    %convert_element_type3A_291 = arith.sitofp %slice3A_290 : vector<1x256xi32> to vector<1x256xf32>
    %slice3A_292 = vector.extract_strided_slice %get3A_28 {offsets = [1, 1024], sizes = [1, 256], strides = [1, 1]} : vector<3x2048xi32> to vector<1x256xi32>
    %convert_element_type3A_293 = arith.sitofp %slice3A_292 : vector<1x256xi32> to vector<1x256xf32>
    %slice3A_294 = vector.extract_strided_slice %get3A_28 {offsets = [2, 1024], sizes = [1, 256], strides = [1, 1]} : vector<3x2048xi32> to vector<1x256xi32>
    %add3A_295 = arith.constant 109 : i32
    %add3A_296 = vector.broadcast %add3A_295 : i32 to vector<1x256xi32>
    %add3A_297 = arith.addi %slice3A_294, %add3A_296 : vector<1x256xi32>
    %convert_element_type3A_298 = arith.sitofp %add3A_297 : vector<1x256xi32> to vector<1x256xf32>
    %eq3A_299 = vector.broadcast %convert_element_type3A_298 : vector<1x256xf32> to vector<256x256xf32>
    %eq3A_300 = arith.cmpf oeq, %convert_element_type3A_6, %eq3A_299 : vector<256x256xf32>
    %convert_element_type3A_301 = arith.extui %eq3A_300 : vector<256x256xi1> to vector<256x256xi32>
    %convert_element_type3A_302 = arith.sitofp %convert_element_type3A_301 : vector<256x256xi32> to vector<256x256xf32>
    %mul3A_303 = vector.broadcast %convert_element_type3A_293 : vector<1x256xf32> to vector<256x256xf32>
    %mul3A_304 = arith.mulf %convert_element_type3A_302, %mul3A_303 : vector<256x256xf32>
    %convert_element_type3A_305 = arith.truncf %mul3A_304 : vector<256x256xf32> to vector<256x256xbf16>
    %dot_general3A_306 = arith.constant dense<0.000000e+00> : vector<256x256xf32>
    %dot_general3A_307 = tpu.matmul %convert_element_type3A_305, %convert_element_type3A_11, %dot_general3A_306 {dimension_numbers = #tpu.dot_dimension_numbers<[1], [0], [0], [1], [0, 0, 1, 1], [], []>, transpose_lhs_hint = false} : vector<256x256xbf16>, vector<256x256xbf16>, vector<256x256xf32> -> vector<256x256xf32>
    %add3A_308 = vector.broadcast %slice3A_243 : vector<256x1xf32> to vector<256x256xf32>
    %add3A_309 = arith.addf %dot_general3A_307, %add3A_308 : vector<256x256xf32>
    %slice3A_310 = vector.extract_strided_slice %add3A_309 {offsets = [0, 255], sizes = [256, 1], strides = [1, 1]} : vector<256x256xf32> to vector<256x1xf32>
    %gt3A_311 = arith.constant 0.000000e+00 : f32
    %gt3A_312 = vector.broadcast %gt3A_311 : f32 to vector<256x256xf32>
    %gt3A_313 = arith.cmpf ogt, %add3A_309, %gt3A_312 : vector<256x256xf32>
    %convert_element_type3A_314 = arith.extui %gt3A_313 : vector<256x256xi1> to vector<256x256xi32>
    %convert_element_type3A_315 = arith.sitofp %convert_element_type3A_314 : vector<256x256xi32> to vector<256x256xf32>
    %eq3A_316 = arith.constant 0.000000e+00 : f32
    %eq3A_317 = vector.broadcast %eq3A_316 : f32 to vector<1x256xf32>
    %eq3A_318 = arith.cmpf oeq, %convert_element_type3A_291, %eq3A_317 : vector<1x256xf32>
    %eq3A_319 = arith.constant 2.000000e+00 : f32
    %eq3A_320 = vector.broadcast %eq3A_319 : f32 to vector<1x256xf32>
    %eq3A_321 = arith.cmpf oeq, %convert_element_type3A_291, %eq3A_320 : vector<1x256xf32>
    %or3A_322 = arith.ori %eq3A_318, %eq3A_321 : vector<1x256xi1>
    %eq3A_323 = arith.constant 7.000000e+00 : f32
    %eq3A_324 = vector.broadcast %eq3A_323 : f32 to vector<1x256xf32>
    %eq3A_325 = arith.cmpf oeq, %convert_element_type3A_291, %eq3A_324 : vector<1x256xf32>
    %or3A_326 = arith.ori %or3A_322, %eq3A_325 : vector<1x256xi1>
    %convert_element_type3A_327 = arith.extui %or3A_326 : vector<1x256xi1> to vector<1x256xi32>
    %convert_element_type3A_328 = arith.sitofp %convert_element_type3A_327 : vector<1x256xi32> to vector<1x256xf32>
    %eq3A_329 = arith.constant 1.000000e+00 : f32
    %eq3A_330 = vector.broadcast %eq3A_329 : f32 to vector<1x256xf32>
    %eq3A_331 = arith.cmpf oeq, %convert_element_type3A_291, %eq3A_330 : vector<1x256xf32>
    %convert_element_type3A_332 = arith.extui %eq3A_331 : vector<1x256xi1> to vector<1x256xi32>
    %convert_element_type3A_333 = arith.sitofp %convert_element_type3A_332 : vector<1x256xi32> to vector<1x256xf32>
    %mul3A_334 = vector.broadcast %convert_element_type3A_333 : vector<1x256xf32> to vector<256x256xf32>
    %mul3A_335 = arith.mulf %mul3A_334, %convert_element_type3A_315 : vector<256x256xf32>
    %add3A_336 = vector.broadcast %convert_element_type3A_328 : vector<1x256xf32> to vector<256x256xf32>
    %add3A_337 = arith.addf %add3A_336, %mul3A_335 : vector<256x256xf32>
    %mul3A_338 = vector.broadcast %convert_element_type3A_4 : vector<256x1xf32> to vector<256x256xf32>
    %mul3A_339 = arith.mulf %mul3A_338, %add3A_337 : vector<256x256xf32>
    %get3A_340 = arith.constant 0 : index
    %get3A_341 = arith.constant 0 : index
    %get3A_342 = arith.constant 1024 : index
    %get3A_343 = vector.load %arg4[%get3A_340, %get3A_341, %get3A_342] : memref<1x256x2047xf32, #tpu.memory_space<vmem>>, vector<1x256x256xf32>
    %get3A_344 = vector.shape_cast %get3A_343 : vector<1x256x256xf32> to vector<256x256xf32>
    %gt3A_345 = arith.constant 0.000000e+00 : f32
    %gt3A_346 = vector.broadcast %gt3A_345 : f32 to vector<256x256xf32>
    %gt3A_347 = arith.cmpf ogt, %mul3A_339, %gt3A_346 : vector<256x256xf32>
    %broadcast_in_dim3A_348 = arith.constant -1.000000e+09 : f32
    %broadcast_in_dim3A_349 = vector.broadcast %broadcast_in_dim3A_348 : f32 to vector<256x256xf32>
    %select_n3A_350 = arith.select %gt3A_347, %broadcast_in_dim3A_349, %get3A_344 : vector<256x256xi1>, vector<256x256xf32>
    %swap3A_351 = arith.constant 0 : index
    %swap3A_352 = arith.constant 0 : index
    %swap3A_353 = arith.constant 1024 : index
    %swap3A_354 = vector.load %arg5[%swap3A_351, %swap3A_352, %swap3A_353] : memref<1x256x2047xf32, #tpu.memory_space<vmem>>, vector<1x256x256xf32>
    %swap3A_355 = vector.shape_cast %swap3A_354 : vector<1x256x256xf32> to vector<256x256xf32>
    %swap3A_356 = vector.shape_cast %select_n3A_350 : vector<256x256xf32> to vector<1x256x256xf32>
    tpu.vector_store %arg5[%swap3A_351, %swap3A_352, %swap3A_353], %swap3A_356 {strides = array<i32>} : memref<1x256x2047xf32, #tpu.memory_space<vmem>>, vector<1x256x256xf32>,
    %slice3A_357 = vector.extract_strided_slice %get3A_28 {offsets = [0, 1280], sizes = [1, 256], strides = [1, 1]} : vector<3x2048xi32> to vector<1x256xi32>
    %convert_element_type3A_358 = arith.sitofp %slice3A_357 : vector<1x256xi32> to vector<1x256xf32>
    %slice3A_359 = vector.extract_strided_slice %get3A_28 {offsets = [1, 1280], sizes = [1, 256], strides = [1, 1]} : vector<3x2048xi32> to vector<1x256xi32>
    %convert_element_type3A_360 = arith.sitofp %slice3A_359 : vector<1x256xi32> to vector<1x256xf32>
    %slice3A_361 = vector.extract_strided_slice %get3A_28 {offsets = [2, 1280], sizes = [1, 256], strides = [1, 1]} : vector<3x2048xi32> to vector<1x256xi32>
    %add3A_362 = arith.constant 109 : i32
    %add3A_363 = vector.broadcast %add3A_362 : i32 to vector<1x256xi32>
    %add3A_364 = arith.addi %slice3A_361, %add3A_363 : vector<1x256xi32>
    %convert_element_type3A_365 = arith.sitofp %add3A_364 : vector<1x256xi32> to vector<1x256xf32>
    %eq3A_366 = vector.broadcast %convert_element_type3A_365 : vector<1x256xf32> to vector<256x256xf32>
    %eq3A_367 = arith.cmpf oeq, %convert_element_type3A_6, %eq3A_366 : vector<256x256xf32>
    %convert_element_type3A_368 = arith.extui %eq3A_367 : vector<256x256xi1> to vector<256x256xi32>
    %convert_element_type3A_369 = arith.sitofp %convert_element_type3A_368 : vector<256x256xi32> to vector<256x256xf32>
    %mul3A_370 = vector.broadcast %convert_element_type3A_360 : vector<1x256xf32> to vector<256x256xf32>
    %mul3A_371 = arith.mulf %convert_element_type3A_369, %mul3A_370 : vector<256x256xf32>
    %convert_element_type3A_372 = arith.truncf %mul3A_371 : vector<256x256xf32> to vector<256x256xbf16>
    %dot_general3A_373 = arith.constant dense<0.000000e+00> : vector<256x256xf32>
    %dot_general3A_374 = tpu.matmul %convert_element_type3A_372, %convert_element_type3A_11, %dot_general3A_373 {dimension_numbers = #tpu.dot_dimension_numbers<[1], [0], [0], [1], [0, 0, 1, 1], [], []>, transpose_lhs_hint = false} : vector<256x256xbf16>, vector<256x256xbf16>, vector<256x256xf32> -> vector<256x256xf32>
    %add3A_375 = vector.broadcast %slice3A_310 : vector<256x1xf32> to vector<256x256xf32>
    %add3A_376 = arith.addf %dot_general3A_374, %add3A_375 : vector<256x256xf32>
    %slice3A_377 = vector.extract_strided_slice %add3A_376 {offsets = [0, 255], sizes = [256, 1], strides = [1, 1]} : vector<256x256xf32> to vector<256x1xf32>
    %gt3A_378 = arith.constant 0.000000e+00 : f32
    %gt3A_379 = vector.broadcast %gt3A_378 : f32 to vector<256x256xf32>
    %gt3A_380 = arith.cmpf ogt, %add3A_376, %gt3A_379 : vector<256x256xf32>
    %convert_element_type3A_381 = arith.extui %gt3A_380 : vector<256x256xi1> to vector<256x256xi32>
    %convert_element_type3A_382 = arith.sitofp %convert_element_type3A_381 : vector<256x256xi32> to vector<256x256xf32>
    %eq3A_383 = arith.constant 0.000000e+00 : f32
    %eq3A_384 = vector.broadcast %eq3A_383 : f32 to vector<1x256xf32>
    %eq3A_385 = arith.cmpf oeq, %convert_element_type3A_358, %eq3A_384 : vector<1x256xf32>
    %eq3A_386 = arith.constant 2.000000e+00 : f32
    %eq3A_387 = vector.broadcast %eq3A_386 : f32 to vector<1x256xf32>
    %eq3A_388 = arith.cmpf oeq, %convert_element_type3A_358, %eq3A_387 : vector<1x256xf32>
    %or3A_389 = arith.ori %eq3A_385, %eq3A_388 : vector<1x256xi1>
    %eq3A_390 = arith.constant 7.000000e+00 : f32
    %eq3A_391 = vector.broadcast %eq3A_390 : f32 to vector<1x256xf32>
    %eq3A_392 = arith.cmpf oeq, %convert_element_type3A_358, %eq3A_391 : vector<1x256xf32>
    %or3A_393 = arith.ori %or3A_389, %eq3A_392 : vector<1x256xi1>
    %convert_element_type3A_394 = arith.extui %or3A_393 : vector<1x256xi1> to vector<1x256xi32>
    %convert_element_type3A_395 = arith.sitofp %convert_element_type3A_394 : vector<1x256xi32> to vector<1x256xf32>
    %eq3A_396 = arith.constant 1.000000e+00 : f32
    %eq3A_397 = vector.broadcast %eq3A_396 : f32 to vector<1x256xf32>
    %eq3A_398 = arith.cmpf oeq, %convert_element_type3A_358, %eq3A_397 : vector<1x256xf32>
    %convert_element_type3A_399 = arith.extui %eq3A_398 : vector<1x256xi1> to vector<1x256xi32>
    %convert_element_type3A_400 = arith.sitofp %convert_element_type3A_399 : vector<1x256xi32> to vector<1x256xf32>
    %mul3A_401 = vector.broadcast %convert_element_type3A_400 : vector<1x256xf32> to vector<256x256xf32>
    %mul3A_402 = arith.mulf %mul3A_401, %convert_element_type3A_382 : vector<256x256xf32>
    %add3A_403 = vector.broadcast %convert_element_type3A_395 : vector<1x256xf32> to vector<256x256xf32>
    %add3A_404 = arith.addf %add3A_403, %mul3A_402 : vector<256x256xf32>
    %mul3A_405 = vector.broadcast %convert_element_type3A_4 : vector<256x1xf32> to vector<256x256xf32>
    %mul3A_406 = arith.mulf %mul3A_405, %add3A_404 : vector<256x256xf32>
    %get3A_407 = arith.constant 0 : index
    %get3A_408 = arith.constant 0 : index
    %get3A_409 = arith.constant 1280 : index
    %get3A_410 = vector.load %arg4[%get3A_407, %get3A_408, %get3A_409] : memref<1x256x2047xf32, #tpu.memory_space<vmem>>, vector<1x256x256xf32>
    %get3A_411 = vector.shape_cast %get3A_410 : vector<1x256x256xf32> to vector<256x256xf32>
    %gt3A_412 = arith.constant 0.000000e+00 : f32
    %gt3A_413 = vector.broadcast %gt3A_412 : f32 to vector<256x256xf32>
    %gt3A_414 = arith.cmpf ogt, %mul3A_406, %gt3A_413 : vector<256x256xf32>
    %broadcast_in_dim3A_415 = arith.constant -1.000000e+09 : f32
    %broadcast_in_dim3A_416 = vector.broadcast %broadcast_in_dim3A_415 : f32 to vector<256x256xf32>
    %select_n3A_417 = arith.select %gt3A_414, %broadcast_in_dim3A_416, %get3A_411 : vector<256x256xi1>, vector<256x256xf32>
    %swap3A_418 = arith.constant 0 : index
    %swap3A_419 = arith.constant 0 : index
    %swap3A_420 = arith.constant 1280 : index
    %swap3A_421 = vector.load %arg5[%swap3A_418, %swap3A_419, %swap3A_420] : memref<1x256x2047xf32, #tpu.memory_space<vmem>>, vector<1x256x256xf32>
    %swap3A_422 = vector.shape_cast %swap3A_421 : vector<1x256x256xf32> to vector<256x256xf32>
    %swap3A_423 = vector.shape_cast %select_n3A_417 : vector<256x256xf32> to vector<1x256x256xf32>
    tpu.vector_store %arg5[%swap3A_418, %swap3A_419, %swap3A_420], %swap3A_423 {strides = array<i32>} : memref<1x256x2047xf32, #tpu.memory_space<vmem>>, vector<1x256x256xf32>,
    %slice3A_424 = vector.extract_strided_slice %get3A_28 {offsets = [0, 1536], sizes = [1, 256], strides = [1, 1]} : vector<3x2048xi32> to vector<1x256xi32>
    %convert_element_type3A_425 = arith.sitofp %slice3A_424 : vector<1x256xi32> to vector<1x256xf32>
    %slice3A_426 = vector.extract_strided_slice %get3A_28 {offsets = [1, 1536], sizes = [1, 256], strides = [1, 1]} : vector<3x2048xi32> to vector<1x256xi32>
    %convert_element_type3A_427 = arith.sitofp %slice3A_426 : vector<1x256xi32> to vector<1x256xf32>
    %slice3A_428 = vector.extract_strided_slice %get3A_28 {offsets = [2, 1536], sizes = [1, 256], strides = [1, 1]} : vector<3x2048xi32> to vector<1x256xi32>
    %add3A_429 = arith.constant 109 : i32
    %add3A_430 = vector.broadcast %add3A_429 : i32 to vector<1x256xi32>
    %add3A_431 = arith.addi %slice3A_428, %add3A_430 : vector<1x256xi32>
    %convert_element_type3A_432 = arith.sitofp %add3A_431 : vector<1x256xi32> to vector<1x256xf32>
    %eq3A_433 = vector.broadcast %convert_element_type3A_432 : vector<1x256xf32> to vector<256x256xf32>
    %eq3A_434 = arith.cmpf oeq, %convert_element_type3A_6, %eq3A_433 : vector<256x256xf32>
    %convert_element_type3A_435 = arith.extui %eq3A_434 : vector<256x256xi1> to vector<256x256xi32>
    %convert_element_type3A_436 = arith.sitofp %convert_element_type3A_435 : vector<256x256xi32> to vector<256x256xf32>
    %mul3A_437 = vector.broadcast %convert_element_type3A_427 : vector<1x256xf32> to vector<256x256xf32>
    %mul3A_438 = arith.mulf %convert_element_type3A_436, %mul3A_437 : vector<256x256xf32>
    %convert_element_type3A_439 = arith.truncf %mul3A_438 : vector<256x256xf32> to vector<256x256xbf16>
    %dot_general3A_440 = arith.constant dense<0.000000e+00> : vector<256x256xf32>
    %dot_general3A_441 = tpu.matmul %convert_element_type3A_439, %convert_element_type3A_11, %dot_general3A_440 {dimension_numbers = #tpu.dot_dimension_numbers<[1], [0], [0], [1], [0, 0, 1, 1], [], []>, transpose_lhs_hint = false} : vector<256x256xbf16>, vector<256x256xbf16>, vector<256x256xf32> -> vector<256x256xf32>
    %add3A_442 = vector.broadcast %slice3A_377 : vector<256x1xf32> to vector<256x256xf32>
    %add3A_443 = arith.addf %dot_general3A_441, %add3A_442 : vector<256x256xf32>
    %slice3A_444 = vector.extract_strided_slice %add3A_443 {offsets = [0, 255], sizes = [256, 1], strides = [1, 1]} : vector<256x256xf32> to vector<256x1xf32>
    %gt3A_445 = arith.constant 0.000000e+00 : f32
    %gt3A_446 = vector.broadcast %gt3A_445 : f32 to vector<256x256xf32>
    %gt3A_447 = arith.cmpf ogt, %add3A_443, %gt3A_446 : vector<256x256xf32>
    %convert_element_type3A_448 = arith.extui %gt3A_447 : vector<256x256xi1> to vector<256x256xi32>
    %convert_element_type3A_449 = arith.sitofp %convert_element_type3A_448 : vector<256x256xi32> to vector<256x256xf32>
    %eq3A_450 = arith.constant 0.000000e+00 : f32
    %eq3A_451 = vector.broadcast %eq3A_450 : f32 to vector<1x256xf32>
    %eq3A_452 = arith.cmpf oeq, %convert_element_type3A_425, %eq3A_451 : vector<1x256xf32>
    %eq3A_453 = arith.constant 2.000000e+00 : f32
    %eq3A_454 = vector.broadcast %eq3A_453 : f32 to vector<1x256xf32>
    %eq3A_455 = arith.cmpf oeq, %convert_element_type3A_425, %eq3A_454 : vector<1x256xf32>
    %or3A_456 = arith.ori %eq3A_452, %eq3A_455 : vector<1x256xi1>
    %eq3A_457 = arith.constant 7.000000e+00 : f32
    %eq3A_458 = vector.broadcast %eq3A_457 : f32 to vector<1x256xf32>
    %eq3A_459 = arith.cmpf oeq, %convert_element_type3A_425, %eq3A_458 : vector<1x256xf32>
    %or3A_460 = arith.ori %or3A_456, %eq3A_459 : vector<1x256xi1>
    %convert_element_type3A_461 = arith.extui %or3A_460 : vector<1x256xi1> to vector<1x256xi32>
    %convert_element_type3A_462 = arith.sitofp %convert_element_type3A_461 : vector<1x256xi32> to vector<1x256xf32>
    %eq3A_463 = arith.constant 1.000000e+00 : f32
    %eq3A_464 = vector.broadcast %eq3A_463 : f32 to vector<1x256xf32>
    %eq3A_465 = arith.cmpf oeq, %convert_element_type3A_425, %eq3A_464 : vector<1x256xf32>
    %convert_element_type3A_466 = arith.extui %eq3A_465 : vector<1x256xi1> to vector<1x256xi32>
    %convert_element_type3A_467 = arith.sitofp %convert_element_type3A_466 : vector<1x256xi32> to vector<1x256xf32>
    %mul3A_468 = vector.broadcast %convert_element_type3A_467 : vector<1x256xf32> to vector<256x256xf32>
    %mul3A_469 = arith.mulf %mul3A_468, %convert_element_type3A_449 : vector<256x256xf32>
    %add3A_470 = vector.broadcast %convert_element_type3A_462 : vector<1x256xf32> to vector<256x256xf32>
    %add3A_471 = arith.addf %add3A_470, %mul3A_469 : vector<256x256xf32>
    %mul3A_472 = vector.broadcast %convert_element_type3A_4 : vector<256x1xf32> to vector<256x256xf32>
    %mul3A_473 = arith.mulf %mul3A_472, %add3A_471 : vector<256x256xf32>
    %get3A_474 = arith.constant 0 : index
    %get3A_475 = arith.constant 0 : index
    %get3A_476 = arith.constant 1536 : index
    %get3A_477 = vector.load %arg4[%get3A_474, %get3A_475, %get3A_476] : memref<1x256x2047xf32, #tpu.memory_space<vmem>>, vector<1x256x256xf32>
    %get3A_478 = vector.shape_cast %get3A_477 : vector<1x256x256xf32> to vector<256x256xf32>
    %gt3A_479 = arith.constant 0.000000e+00 : f32
    %gt3A_480 = vector.broadcast %gt3A_479 : f32 to vector<256x256xf32>
    %gt3A_481 = arith.cmpf ogt, %mul3A_473, %gt3A_480 : vector<256x256xf32>
    %broadcast_in_dim3A_482 = arith.constant -1.000000e+09 : f32
    %broadcast_in_dim3A_483 = vector.broadcast %broadcast_in_dim3A_482 : f32 to vector<256x256xf32>
    %select_n3A_484 = arith.select %gt3A_481, %broadcast_in_dim3A_483, %get3A_478 : vector<256x256xi1>, vector<256x256xf32>
    %swap3A_485 = arith.constant 0 : index
    %swap3A_486 = arith.constant 0 : index
    %swap3A_487 = arith.constant 1536 : index
    %swap3A_488 = vector.load %arg5[%swap3A_485, %swap3A_486, %swap3A_487] : memref<1x256x2047xf32, #tpu.memory_space<vmem>>, vector<1x256x256xf32>
    %swap3A_489 = vector.shape_cast %swap3A_488 : vector<1x256x256xf32> to vector<256x256xf32>
    %swap3A_490 = vector.shape_cast %select_n3A_484 : vector<256x256xf32> to vector<1x256x256xf32>
    tpu.vector_store %arg5[%swap3A_485, %swap3A_486, %swap3A_487], %swap3A_490 {strides = array<i32>} : memref<1x256x2047xf32, #tpu.memory_space<vmem>>, vector<1x256x256xf32>,
    %slice3A_491 = vector.extract_strided_slice %get3A_28 {offsets = [0, 1792], sizes = [1, 255], strides = [1, 1]} : vector<3x2048xi32> to vector<1x255xi32>
    %convert_element_type3A_492 = arith.sitofp %slice3A_491 : vector<1x255xi32> to vector<1x255xf32>
    %slice3A_493 = vector.extract_strided_slice %get3A_28 {offsets = [1, 1792], sizes = [1, 255], strides = [1, 1]} : vector<3x2048xi32> to vector<1x255xi32>
    %convert_element_type3A_494 = arith.sitofp %slice3A_493 : vector<1x255xi32> to vector<1x255xf32>
    %slice3A_495 = vector.extract_strided_slice %get3A_28 {offsets = [2, 1792], sizes = [1, 255], strides = [1, 1]} : vector<3x2048xi32> to vector<1x255xi32>
    %add3A_496 = arith.constant 109 : i32
    %add3A_497 = vector.broadcast %add3A_496 : i32 to vector<1x255xi32>
    %add3A_498 = arith.addi %slice3A_495, %add3A_497 : vector<1x255xi32>
    %convert_element_type3A_499 = arith.sitofp %add3A_498 : vector<1x255xi32> to vector<1x255xf32>
    %slice3A_500 = vector.extract_strided_slice %convert_element_type3A_6 {offsets = [0, 0], sizes = [256, 255], strides = [1, 1]} : vector<256x256xf32> to vector<256x255xf32>
    %eq3A_501 = vector.broadcast %convert_element_type3A_499 : vector<1x255xf32> to vector<256x255xf32>
    %eq3A_502 = arith.cmpf oeq, %slice3A_500, %eq3A_501 : vector<256x255xf32>
    %convert_element_type3A_503 = arith.extui %eq3A_502 : vector<256x255xi1> to vector<256x255xi32>
    %convert_element_type3A_504 = arith.sitofp %convert_element_type3A_503 : vector<256x255xi32> to vector<256x255xf32>
    %mul3A_505 = vector.broadcast %convert_element_type3A_494 : vector<1x255xf32> to vector<256x255xf32>
    %mul3A_506 = arith.mulf %convert_element_type3A_504, %mul3A_505 : vector<256x255xf32>
    %convert_element_type3A_507 = arith.truncf %mul3A_506 : vector<256x255xf32> to vector<256x255xbf16>
    %slice3A_508 = vector.extract_strided_slice %convert_element_type3A_11 {offsets = [0, 0], sizes = [255, 255], strides = [1, 1]} : vector<256x256xbf16> to vector<255x255xbf16>
    %dot_general3A_509 = arith.constant dense<0.000000e+00> : vector<256x255xf32>
    %dot_general3A_510 = tpu.matmul %convert_element_type3A_507, %slice3A_508, %dot_general3A_509 {dimension_numbers = #tpu.dot_dimension_numbers<[1], [0], [0], [1], [0, 0, 1, 1], [], []>, transpose_lhs_hint = false} : vector<256x255xbf16>, vector<255x255xbf16>, vector<256x255xf32> -> vector<256x255xf32>
    %add3A_511 = vector.broadcast %slice3A_444 : vector<256x1xf32> to vector<256x255xf32>
    %add3A_512 = arith.addf %dot_general3A_510, %add3A_511 : vector<256x255xf32>
    %gt3A_513 = arith.constant 0.000000e+00 : f32
    %gt3A_514 = vector.broadcast %gt3A_513 : f32 to vector<256x255xf32>
    %gt3A_515 = arith.cmpf ogt, %add3A_512, %gt3A_514 : vector<256x255xf32>
    %convert_element_type3A_516 = arith.extui %gt3A_515 : vector<256x255xi1> to vector<256x255xi32>
    %convert_element_type3A_517 = arith.sitofp %convert_element_type3A_516 : vector<256x255xi32> to vector<256x255xf32>
    %eq3A_518 = arith.constant 0.000000e+00 : f32
    %eq3A_519 = vector.broadcast %eq3A_518 : f32 to vector<1x255xf32>
    %eq3A_520 = arith.cmpf oeq, %convert_element_type3A_492, %eq3A_519 : vector<1x255xf32>
    %eq3A_521 = arith.constant 2.000000e+00 : f32
    %eq3A_522 = vector.broadcast %eq3A_521 : f32 to vector<1x255xf32>
    %eq3A_523 = arith.cmpf oeq, %convert_element_type3A_492, %eq3A_522 : vector<1x255xf32>
    %or3A_524 = arith.ori %eq3A_520, %eq3A_523 : vector<1x255xi1>
    %eq3A_525 = arith.constant 7.000000e+00 : f32
    %eq3A_526 = vector.broadcast %eq3A_525 : f32 to vector<1x255xf32>
    %eq3A_527 = arith.cmpf oeq, %convert_element_type3A_492, %eq3A_526 : vector<1x255xf32>
    %or3A_528 = arith.ori %or3A_524, %eq3A_527 : vector<1x255xi1>
    %convert_element_type3A_529 = arith.extui %or3A_528 : vector<1x255xi1> to vector<1x255xi32>
    %convert_element_type3A_530 = arith.sitofp %convert_element_type3A_529 : vector<1x255xi32> to vector<1x255xf32>
    %eq3A_531 = arith.constant 1.000000e+00 : f32
    %eq3A_532 = vector.broadcast %eq3A_531 : f32 to vector<1x255xf32>
    %eq3A_533 = arith.cmpf oeq, %convert_element_type3A_492, %eq3A_532 : vector<1x255xf32>
    %convert_element_type3A_534 = arith.extui %eq3A_533 : vector<1x255xi1> to vector<1x255xi32>
    %convert_element_type3A_535 = arith.sitofp %convert_element_type3A_534 : vector<1x255xi32> to vector<1x255xf32>
    %mul3A_536 = vector.broadcast %convert_element_type3A_535 : vector<1x255xf32> to vector<256x255xf32>
    %mul3A_537 = arith.mulf %mul3A_536, %convert_element_type3A_517 : vector<256x255xf32>
    %add3A_538 = vector.broadcast %convert_element_type3A_530 : vector<1x255xf32> to vector<256x255xf32>
    %add3A_539 = arith.addf %add3A_538, %mul3A_537 : vector<256x255xf32>
    %mul3A_540 = vector.broadcast %convert_element_type3A_4 : vector<256x1xf32> to vector<256x255xf32>
    %mul3A_541 = arith.mulf %mul3A_540, %add3A_539 : vector<256x255xf32>
    %get3A_542 = arith.constant 0 : index
    %get3A_543 = arith.constant 0 : index
    %get3A_544 = arith.constant 1792 : index
    %get3A_545 = vector.load %arg4[%get3A_542, %get3A_543, %get3A_544] : memref<1x256x2047xf32, #tpu.memory_space<vmem>>, vector<1x256x255xf32>
    %get3A_546 = vector.shape_cast %get3A_545 : vector<1x256x255xf32> to vector<256x255xf32>
    %gt3A_547 = arith.constant 0.000000e+00 : f32
    %gt3A_548 = vector.broadcast %gt3A_547 : f32 to vector<256x255xf32>
    %gt3A_549 = arith.cmpf ogt, %mul3A_541, %gt3A_548 : vector<256x255xf32>
    %broadcast_in_dim3A_550 = arith.constant -1.000000e+09 : f32
    %broadcast_in_dim3A_551 = vector.broadcast %broadcast_in_dim3A_550 : f32 to vector<256x255xf32>
    %select_n3A_552 = arith.select %gt3A_549, %broadcast_in_dim3A_551, %get3A_546 : vector<256x255xi1>, vector<256x255xf32>
    %swap3A_553 = arith.constant 0 : index
    %swap3A_554 = arith.constant 0 : index
    %swap3A_555 = arith.constant 1792 : index
    %swap3A_556 = vector.load %arg5[%swap3A_553, %swap3A_554, %swap3A_555] : memref<1x256x2047xf32, #tpu.memory_space<vmem>>, vector<1x256x255xf32>
    %swap3A_557 = vector.shape_cast %swap3A_556 : vector<1x256x255xf32> to vector<256x255xf32>
    %swap3A_558 = vector.shape_cast %select_n3A_552 : vector<256x255xf32> to vector<1x256x255xf32>
    tpu.vector_store %arg5[%swap3A_553, %swap3A_554, %swap3A_555], %swap3A_558 {strides = array<i32>} : memref<1x256x2047xf32, #tpu.memory_space<vmem>>, vector<1x256x255xf32>,
    return
  }
  func.func @transform_0(%arg0: i32) -> i32 {
    %c0_i32 = arith.constant 0 : i32
    %c0_i32_0 = arith.constant 0 : i32
    return %c0_i32 : i32
  }
  func.func @transform_1(%arg0: i32) -> i32 {
    %c0_i32 = arith.constant 0 : i32
    %c0_i32_0 = arith.constant 0 : i32
    return %c0_i32 : i32
  }
  func.func @transform_2(%arg0: i32) -> (i32, i32, i32) {
    %c0_i32 = arith.constant 0 : i32
    %c0_i32_0 = arith.constant 0 : i32
    %c0_i32_1 = arith.constant 0 : i32
    return %arg0, %c0_i32, %c0_i32_0 : i32, i32, i32
  }
  func.func @transform_3(%arg0: i32) -> (i32, i32, i32) {
    %c0_i32 = arith.constant 0 : i32
    %c0_i32_0 = arith.constant 0 : i32
    %c0_i32_1 = arith.constant 0 : i32
    return %arg0, %c0_i32, %c0_i32_0 : i32, i32, i32
  }
  func.func @transform_4(%arg0: i32) -> (i32, i32, i32) {
    %c0_i32 = arith.constant 0 : i32
    %c0_i32_0 = arith.constant 0 : i32
    %c0_i32_1 = arith.constant 0 : i32
    return %arg0, %c0_i32, %c0_i32_0 : i32, i32, i32
  }
}

</mosaic_0001>

<sc_bundles>
// kernel: sparse-core-data-format-call.cloned.1.call-start
scs
called_computation_lowered:
.L_overlay_start_0:
0x0: {  	s2 =	sld [smem:$0x3FD9]  }
0x1: {  	s3 =	sld [smem:$0x3FFE];
	_ =	sdelay $0x1  }
0x2: {  	s1 =	srdreg.scid  }
0x3: {  	s0 =	sand.u32 $0x1, s1  }
0x4: {  	s18 =	sshll.u32 s0, $0xA;
	s2 =	sadd.s32 s3, s2  }
0x5: {  	s2 =	sadd.s32 s2, s18  }
0x6: {  	[smem:$0x3FC5] =	sst s2  }
0x7: {  	_ = 	snop  }
0x8: {  	s2 =	sld [smem:$0x3FD0];
	(tm) =	ssettm $0x1  }
0x9: {  	s19 =	sld [smem:$0x3FFB];
	_ =	sdelay $0x3  }
0xa: {  	_ =	strace s19  }
0xb: {  	s3 =	sld [smem:$0x3FFC];
	_ =	sdelay $0x3  }
0xc: {  	_ =	strace s3  }
0xd: {  	s3 =	sld [smem:$0x3FFD];
	_ =	sdelay $0x3  }
0xe: {  	_ =	strace s3  }
0xf: {  	_ =	strace $0x8FFFFFFF  }
0x10: {  	s20 =	sld [smem:$0x3FDB];
	_ =	sdelay $0x1  }
0x11: {  	s4 =	simm.s32 $_scs_section_size  }
0x12: {  	s5 =	simm.s32 $_size__tile_overlayer_lowered;
	s6 =	simm.s32 $_tile_overlayer_lowered  }
0x13: {  	s23 =	simm.s32 $0x1BFF;
	s22 =	sshll.u32 s6, $0x1;
	s3 =	sadd.s32 s4, s20  }
0x14: {  	s7 =	simm.s32 $0x0;
	s21 =	sshll.u32 s5, $0x1;
	s5 =	sadd.s32 s22, s3  }
0x15: {  	[timem:s7], [sflag:s23] =	dma.local [hbm:s5], s21  }
0x16: {  	_ =	swait.ge [sflag:s23], s21  }
0x17: {  	s4 =	ssub.s32 $0x0, s21;
	[sflag:s23] =	ssyncset.done $0x0  }
0x18: {  	[sflag:s23] =	ssyncadd.s32 s4;
	_ =	sdelay $0x1  }
0x19: {  	s24 =	simm.s32 $0x1B8B  }
0x1a: {  	_ =	swait.ge [sflag:s24], $0x1  }
0x1b: {  	[sflag:s24] =	ssyncset.done $0x0  }
0x1c: {  	s26 =	simm.s32 $0x1B8E;
	s25 =	sld [smem:$0x3FFE];
	[sflag:s24] =	ssyncadd.s32 $0xFFFFFFFF  }
0x1d: {  	s27 =	simm.s32 $execute0_lowered;
	[smem:$0x3FD2] =	sst s26  }
0x1e: {  	s5 =	sshll.u32 s27, $0x1;
	_ =	strace $0x80000046;
	[dreg:$0x1] =	wrdreg $0xFFFFFFFF  }
0x1f: {  	s28 =	simm.s32 $_size_execute0_lowered;
	s3 =	sadd.s32 s3, s5;
	[dreg:$0x0] =	wrdreg $0x0  }
0x20: {  	s5 =	sshll.u32 s28, $0x1;
	[dreg:$0x2] =	wrdreg s3  }
0x21: {  	[dreg:$0x3] =	wrdreg s5  }
0x22: {  	[dreg:$0x4] =	wrdreg $0xC0  }
0x23: {  	_ =	task [dreg:s7], $0x5FFFF  }
0x24: {  	[dreg:$0x1] =	wrdreg $0xFFFFFFFF  }
0x25: {  	[dreg:$0x0] =	wrdreg $0x60  }
0x26: {  	[dreg:$0x2] =	wrdreg s25  }
0x27: {  	[dreg:$0x3] =	wrdreg s2  }
0x28: {  	[dreg:$0x4] =	wrdreg $0x9  }
0x29: {  	_ =	task.clear_ibuf [dreg:s7], $0x5FFFF;
	_ =	strace $0x90000046  }
0x2a: {  	s29 =	simm.s32 $0x9;
	_ =	strace $0x80000048  }
0x2b: {  	_ =	swait.ge [sflag:s29], $0x1  }
0x2c: {  	[sflag:s29] =	ssyncadd.s32 $0xFFFFFFFF  }
0x2d: {  	_ =	strace $0x90000048  }
0x2e: {  	_ =	sfence  }
0x2f: {  	s30 =	sld [smem:$0x0];
	_ =	sdelay $0x2  }
0x30: {  	s31 =	sshll.u32 s1, $0xD;
	s1 =	sshrl.u32 s1, $0x2  }
0x31: {  	s3 =	sand.u32 $0x4000, s31;
	s1 =	sadd.s32 s1, s30  }
0x32: {  	s0 =	sor.u32 s3, s0;
	s1 =	sshll.u32 s1, $0x11  }
0x33: {  	s0 =	sor.u32 s1, s0  }
0x34: {  	s0 =	sadd.s32 $0x8F2B, s0  }
0x35: {  	[sflag:s0] =	ssyncadd.remote.s32 $0x1  }
0x36: {  	_ =	sfence.sel $0xFFFF  }
0x37: {  	[dreg:$0x0] =	wrdreg $0xFFFFFFFF;
	(pc) =	sbr.abs _section_cstart, $3  }
0x38: {  	[dreg:$0x1] =	wrdreg $0xFFFFFFFF  }
0x39: {  	_ =	task.clear_ibuf [dreg:s7], $0x2FFFF;
	_ =	strace $0x9FFFFFFF  }
0x3a: {  	(tm) =	ssettm $0x7FFFFFFF  }
0x3b: {  	_ =	shalt  }
tec
execute0_lowered:
.L_overlay_start_1:
0x0: {  	(tag) =	ssettag $0x1  }
0x1: {  	s2 =	rddreg [dreg:$0x0]  }
0x2: {  	s3 =	rddreg [dreg:$0x1]  }
0x3: {  	s0 =	rddreg [dreg:$0x2];
	_ =	strace $0x80000047;
	s1 =	stileid.u32  }
0x4: {  	s4 =	srdreg.scid;
	s31 =	simm.s32 $0x2;
	s18 =	simm.s32 $0x0  }
0x5: {  	s10 =	simm.s32 $0x800;
	s11 =	simm.s32 $0x2000;
	s12 =	simm.s32 $0x0  }
0x6: {  	s19 =	simm.s32 $0x0;
	s20 =	simm.s32 $0x0;
	s13 =	simm.s32 $0x0  }
0x7: {  	s14 =	simm.s32 $0x0;
	s16 =	simm.s32 $0x0;
	s17 =	simm.s32 $0x0  }
.Ltmp0:
0x8: {  	s5 =	sshll.u32 s1, $0x3;
	s6 =	sshll.u32 s1, $0x6;
	(pc) =	sbr.rel .LBB1_1-.Ltmp0, $4  }
0x9: {  	s7 =	sshll.u32 s4, $0xA;
	s4 =	sand.u32 $0x38, s5;
	s5 =	simm.s32 $0x1  }
0xa: {  	s6 =	sor.u32 s6, s7;
	[sflag:s5] =	ssyncpa.u1 $0x0;
	s8 =	ssub.s32 $0x568, s4  }
0xb: {  	s6 =	sand.u32 $0x600, s6;
	s15 =	smov.u32 s4;
	s7 =	sshrl.u32 s8, $0x6  }
0xc: {  	[sflag:s31] =	ssyncpa.u1 $0x0;
	s8 =	sshll.u32 s6, $0x3;
	s9 =	sor.u32 $0x2, s7  }
.LBB1_7:
0xd: {  	p0 =	slt.u32 s17, $0x2  }
0xe: {  	p1 =	sgt.s32 @!p0 s18, $0x567  }
0xf: {  	s20 =	smov.u32 s18;
	s21 =	sshra.s32 @!p0 s18, $0x1F;
	p1 =	por !p1, p0  }
0x10: {  	s18 =	sand.u32 @!p0 s21, s18;
	s21 =	ssub.s32 @!p0 $0x0, s19;
	s20 =	simm.s32 @p1 $0x567  }
0x11: {  	s19 =	smin.u32 @!p0 s19, s21;
	s18 =	ssub.s32 @!p0 s20, s18  }
0x12: {  	s22 =	smov.u32 s16;
	p2 =	sgt.s32 @!p0 s19, $0x3;
	s20 =	sadd.s32 @!p0 $0xFFFFFA99, s18  }
0x13: {  	s19 =	sshll.u32 @!p0 s19, $0x9;
	s18 =	ssub.s32 @!p0 $0x56F, s18;
	p1 =	sgt.s32 @!p0 s20, $0x7  }
0x14: {  	s19 =	ssub.s32 @!p0 $0x800, s19;
	p2 =	por !p2, p0;
	p1 =	por !p1, p0  }
0x15: {  	s21 =	sadd.s32 $0x40, s15;
	s19 =	simm.s32 @!p2 $0x0;
	s18 =	simm.s32 @!p1 $0x0  }
0x16: {  	p1 =	sgt.s32 s21, $0x56E;
	s18 =	smul.u32 @!p0 s18, s19;
	s19 =	sadd.s32 $0x4, s16  }
0x17: {  	s22 =	smov.u32 @p1 s19  }
0x18: {  	s21 =	smov.u32 @p1 s4;
	p1 =	sgt.s32 s22, $0x3  }
0x19: {  	s12 =	sadd.s32 $0x4000, s12;
	s22 =	simm.s32 @p1 $0x0;
	p1 =	sne.s32 s17, s9  }
.Ltmp1:
0x1a: {  	s20 =	simm.s32 @!p0 $0x2;
	s18 =	sand.u32 @!p0 $0x3FFFFE00, s18;
	(pc) =	sbr.rel @!p1 .LBB1_8-.Ltmp1, $4  }
0x1b: {  	s19 =	smov.u32 s14;
	s14 =	smov.u32 s16;
	_ =	swait.ge @!p0 [sflag:s20], s18  }
0x1c: {  	s23 =	ssub.s32 @!p0 $0x0, s18;
	s18 =	smov.u32 s13;
	s17 =	sadd.s32 $0x1, s17  }
0x1d: {  	s13 =	smov.u32 s15;
	s15 =	smov.u32 s21;
	[sflag:s20] =	ssyncset.done @!p0 $0x0  }
0x1e: {  	s16 =	smov.u32 s22;
	[sflag:s20] =	ssyncadd.s32 @!p0 s23;
	s20 =	smov.u32 s6  }
.LBB1_1:
0x1f: {  	p0 =	sgt.u32 s17, s7  }
0x20: {  	s21 =	sshll.u32 @!p0 s15, $0xB  }
0x21: {  	s21 =	sand.u32 @!p0 $0xFFFFC000, s21  }
0x22: {  	s21 =	sor.u32 @!p0 s8, s21  }
0x23: {  	s21 =	sshrl.u32 @!p0 s21, $0xB  }
0x24: {  	s22 =	smulhi.u32 @!p0 $0x2F149A, s21;
	_ =	sdelay $0x1  }
0x25: {  	s22 =	smul.u32 @!p0 $0x570, s22  }
0x26: {  	s23 =	smul.u32 @!p0 $0x57000, s16  }
0x27: {  	s24 =	sxor.u32 @!p0 $0xFFFFFFFF, s17;
	s21 =	ssub.s32 @!p0 s21, s22;
	s22 =	sshll.u32 @!p0 s15, $0x4  }
0x28: {  	s24 =	sshll.u32 @!p0 s24, $0xE;
	s23 =	sadd.s32 @!p0 s2, s23;
	s22 =	sand.u32 @!p0 $0x70, s22  }
0x29: {  	s24 =	sand.u32 @!p0 $0x4000, s24;
	s21 =	sshll.u32 @!p0 s21, $0x8;
	s22 =	sadd.s32 @!p0 s22, s23  }
0x2a: {  	s23 =	simm.s32 @!p0 $0x2B8000;
	s21 =	sadd.s32 @!p0 s21, s22;
	s22 =	simm.s32 @!p0 $0x1000  }
0x2b: {  	[tilespmem:s24], [sflag:$0x1] =	stream.strided.gather @!p0 [hbm4b:s21+s22], $0x4000, s23, s22, $0x38;
	[tilespmem:$0x10000] =	vst v63  }
0x2c: {  	p0 =	seq.s32 s17, $0x0  }
0x2d: {  	p1 =	sge.u32 @!p0 s17, s9  }
0x2e: {  	p0 =	por p0, p1  }
.Ltmp2:
0x2f: {  	_ = 	snop;
	(pc) =	sbr.rel @p0 .LBB1_7-.Ltmp2, $1  }
0x30: {  	_ =	sdelay $0x3  }
0x31: {  	s21 =	sand.u32 $0x4000, s12;
	_ =	swait.ge [sflag:s5], $0x4000  }
0x32: {  	s24 =	sshll.u32 s17, $0xE;
	s25 =	simm.s32 $0x0;
	s26 =	simm.s32 $0x0  }
0x33: {  	s22 =	sor.u32 $0x8400, s21;
	[sflag:s5] =	ssyncset.done $0x0;
	s24 =	sand.u32 $0x4000, s24  }
0x34: {  	s23 =	sor.u32 $0x810, s21;
	[sflag:s5] =	ssyncadd.s32 $0xFFFFC000;
	s21 =	sor.u32 $0x8000, s24  }
.LBB1_3:
0x35: {  	v4 =	vld [tilespmem:s23+$0xFFFFF7F0]  }
0x36: {  	v5 =	vld [tilespmem:s23+$0xFFFFF800]  }
0x37: {  	s27 =	sshll.u32 s26, $0xC;
	v6 =	vld [tilespmem:s23+$0xFFFFF810]  }
0x38: {  	v0 =	vmov s27  }
0x39: {  	v7 =	vld [tilespmem:s23+$0xFFFFF820]  }
0x3a: {  	s27 =	sand.u32 $0x200, s25;
	[tilespmem:s22+$0xFFFFFC00] =	vst v4;
	v4 =	vld [tilespmem:s23+$0xFFFFF860]  }
0x3b: {  	s28 =	sand.u32 $0x180, s25;
	s27 =	sadd.s32 s27, s24;
	[tilespmem:s22+$0xFFFFFC10] =	vst v5;
	v5 =	vld [tilespmem:s23+$0xFFFFFC00]  }
0x3c: {  	s27 =	sadd.s32 s28, s27;
	[tilespmem:s22+$0xFFFFFC20] =	vst v6;
	v6 =	vld [tilespmem:s23+$0xFFFFFC10]  }
0x3d: {  	v1 =	vld.idx.msk [tilespmem:v0+s27+$0xC00 ss:$0x1], $0xffff  }
0x3e: {  	v2 =	vld.idx.msk [tilespmem:v0+s27+$0x400 ss:$0x1], $0xffff  }
0x3f: {  	[tilespmem:s22+$0xFFFFFC30] =	vst v7;
	v3 =	vld.idx.msk [tilespmem:v0+s27+$0x800 ss:$0x1], $0xffff  }
0x40: {  	v7 =	vld [tilespmem:s23+$0x40];
	[tilespmem:s22+$0xFFFFFC70] =	vst v4  }
0x41: {  	v4 =	vld [tilespmem:s23+$0xFFFFFC50];
	[tilespmem:s22+$0xFFFFFE10] =	vst v5  }
0x42: {  	[tilespmem:s22+$0x200] =	vst v1;
	v1 =	vld [tilespmem:s23+$0xFFFFF830]  }
0x43: {  	[tilespmem:s22+$0xFFFFFE00] =	vst v2;
	v2 =	vld [tilespmem:s23+$0xFFFFF840]  }
0x44: {  	[tilespmem:s22+$0x0] =	vst v3;
	v3 =	vld [tilespmem:s23+$0xFFFFF850]  }
0x45: {  	v5 =	vld [tilespmem:s23+$0xFFFFFC60];
	[tilespmem:s22+$0xFFFFFE20] =	vst v6  }
0x46: {  	v6 =	vld [tilespmem:s23+$0x0];
	[tilespmem:s22+$0x50] =	vst v7  }
0x47: {  	[tilespmem:s22+$0xFFFFFC40] =	vst v1;
	v1 =	vld [tilespmem:s23+$0xFFFFFC20]  }
0x48: {  	[tilespmem:s22+$0xFFFFFC50] =	vst v2;
	v2 =	vld [tilespmem:s23+$0xFFFFFC30]  }
0x49: {  	[tilespmem:s22+$0xFFFFFC60] =	vst v3;
	v3 =	vld [tilespmem:s23+$0xFFFFFC40]  }
0x4a: {  	[tilespmem:s22+$0xFFFFFE70] =	vst v5;
	v5 =	vld [tilespmem:s23+$0x50]  }
0x4b: {  	[tilespmem:s22+$0x10] =	vst v6;
	v6 =	vld [tilespmem:s23+$0x60]  }
0x4c: {  	[tilespmem:s22+$0xFFFFFE30] =	vst v1;
	v1 =	vld [tilespmem:s23+$0x10]  }
0x4d: {  	[tilespmem:s22+$0xFFFFFE40] =	vst v2;
	v2 =	vld [tilespmem:s23+$0x20]  }
0x4e: {  	[tilespmem:s22+$0xFFFFFE50] =	vst v3;
	v3 =	vld [tilespmem:s23+$0x30]  }
0x4f: {  	[tilespmem:s22+$0xFFFFFE60] =	vst v4;
	v4 =	vld [tilespmem:s23+$0x400]  }
0x50: {  	[tilespmem:s22+$0x60] =	vst v5;
	v5 =	vld [tilespmem:s23+$0x440]  }
0x51: {  	[tilespmem:s22+$0x20] =	vst v1;
	v1 =	vld [tilespmem:s23+$0x410]  }
0x52: {  	s30 =	simm.s32 $0x80;
	s29 =	simm.s32 $0x100;
	[tilespmem:s22+$0x30] =	vst v2;
	v2 =	vld [tilespmem:s23+$0x420]  }
0x53: {  	s31 =	sand.u32 $0x200, s30;
	s28 =	smov.u32 s23;
	s27 =	smov.u32 s22;
	[tilespmem:s22+$0x40] =	vst v3;
	v3 =	vld [tilespmem:s23+$0x430]  }
.LBB1_4:
0x54: {  	p0 =	sne.s32 s29, $0x380;
	s30 =	sand.u32 $0x180, s30;
	s31 =	sadd.s32 s31, s24;
	[tilespmem:s27+$0x70] =	vst v6;
	v6 =	vld [tilespmem:s28+$0x450]  }
0x55: {  	s31 =	sadd.s32 s30, s31;
	[tilespmem:s27+$0x210] =	vst v4;
	v4 =	vld [tilespmem:s28+$0x460];
	s30 =	smov.u32 s29  }
0x56: {  	v7 =	vld.idx.msk [tilespmem:v0+s31+$0xC00 ss:$0x1], $0xffff;
	[tilespmem:s27+$0x220] =	vst v1  }
0x57: {  	v1 =	vld.idx.msk [tilespmem:v0+s31+$0x400 ss:$0x1], $0xffff;
	[tilespmem:s27+$0x230] =	vst v2  }
0x58: {  	s28 =	sadd.s32 $0x80, s28;
	v2 =	vld.idx.msk [tilespmem:v0+s31+$0x800 ss:$0x1], $0xffff;
	[tilespmem:s27+$0x240] =	vst v3  }
0x59: {  	v3 =	vld [tilespmem:s28+$0xFFFFF7F0];
	[tilespmem:s27+$0x250] =	vst v5  }
0x5a: {  	v5 =	vld [tilespmem:s28+$0xFFFFF800];
	[tilespmem:s27+$0x260] =	vst v6  }
0x5b: {  	v6 =	vld [tilespmem:s28+$0xFFFFF810];
	[tilespmem:s27+$0x270] =	vst v4;
	s27 =	sadd.s32 $0x800, s27  }
0x5c: {  	v4 =	vld [tilespmem:s28+$0xFFFFF820];
	[tilespmem:s27+$0x200] =	vst v7  }
0x5d: {  	v7 =	vld [tilespmem:s28+$0xFFFFF830];
	[tilespmem:s27+$0xFFFFFE00] =	vst v1  }
0x5e: {  	v1 =	vld [tilespmem:s28+$0xFFFFF840];
	[tilespmem:s27+$0x0] =	vst v2  }
0x5f: {  	[tilespmem:s27+$0xFFFFFC00] =	vst v3;
	v2 =	vld [tilespmem:s28+$0xFFFFF850]  }
0x60: {  	[tilespmem:s27+$0xFFFFFC10] =	vst v5;
	v3 =	vld [tilespmem:s28+$0xFFFFF860]  }
0x61: {  	[tilespmem:s27+$0xFFFFFC20] =	vst v6;
	v5 =	vld [tilespmem:s28+$0xFFFFFC00]  }
0x62: {  	[tilespmem:s27+$0xFFFFFC30] =	vst v4;
	v4 =	vld [tilespmem:s28+$0xFFFFFC10]  }
0x63: {  	[tilespmem:s27+$0xFFFFFC40] =	vst v7;
	v6 =	vld [tilespmem:s28+$0xFFFFFC20]  }
0x64: {  	[tilespmem:s27+$0xFFFFFC50] =	vst v1;
	v1 =	vld [tilespmem:s28+$0xFFFFFC30]  }
0x65: {  	[tilespmem:s27+$0xFFFFFC60] =	vst v2;
	v2 =	vld [tilespmem:s28+$0xFFFFFC40]  }
0x66: {  	[tilespmem:s27+$0xFFFFFC70] =	vst v3;
	v3 =	vld [tilespmem:s28+$0xFFFFFC50]  }
0x67: {  	[tilespmem:s27+$0xFFFFFE10] =	vst v5;
	v5 =	vld [tilespmem:s28+$0xFFFFFC60]  }
0x68: {  	[tilespmem:s27+$0xFFFFFE20] =	vst v4;
	v4 =	vld [tilespmem:s28+$0x0]  }
0x69: {  	[tilespmem:s27+$0xFFFFFE30] =	vst v6;
	v7 =	vld [tilespmem:s28+$0x10]  }
0x6a: {  	[tilespmem:s27+$0xFFFFFE40] =	vst v1;
	v1 =	vld [tilespmem:s28+$0x20]  }
0x6b: {  	[tilespmem:s27+$0xFFFFFE50] =	vst v2;
	v2 =	vld [tilespmem:s28+$0x30]  }
0x6c: {  	[tilespmem:s27+$0xFFFFFE60] =	vst v3;
	v3 =	vld [tilespmem:s28+$0x40]  }
0x6d: {  	[tilespmem:s27+$0xFFFFFE70] =	vst v5;
	v5 =	vld [tilespmem:s28+$0x50]  }
0x6e: {  	[tilespmem:s27+$0x10] =	vst v4;
	v6 =	vld [tilespmem:s28+$0x60]  }
.Ltmp3:
0x6f: {  	[tilespmem:s27+$0x20] =	vst v7;
	v4 =	vld [tilespmem:s28+$0x400];
	(pc) =	sbr.rel @p0 .LBB1_4-.Ltmp3, $4  }
0x70: {  	[tilespmem:s27+$0x30] =	vst v1;
	v1 =	vld [tilespmem:s28+$0x410]  }
0x71: {  	[tilespmem:s27+$0x40] =	vst v2;
	v2 =	vld [tilespmem:s28+$0x420]  }
0x72: {  	[tilespmem:s27+$0x50] =	vst v3;
	v3 =	vld [tilespmem:s28+$0x430]  }
0x73: {  	s29 =	sadd.s32 $0x80, s29;
	s31 =	sand.u32 $0x200, s30;
	[tilespmem:s27+$0x60] =	vst v5;
	v5 =	vld [tilespmem:s28+$0x440]  }
0x74: {  	[tilespmem:s27+$0x70] =	vst v6  }
0x75: {  	v30 =	vld [tilespmem:s28+$0x450];
	[tilespmem:s27+$0x210] =	vst v4  }
0x76: {  	s29 =	sand.u32 $0x180, s30;
	v31 =	vld [tilespmem:s28+$0x460];
	s30 =	sadd.s32 $0x80, s28;
	[tilespmem:s27+$0x220] =	vst v1  }
0x77: {  	v35 =	vld [tilespmem:s30+$0xFFFFF7F0];
	[tilespmem:s27+$0x230] =	vst v2  }
0x78: {  	v36 =	vld [tilespmem:s30+$0xFFFFF800];
	[tilespmem:s27+$0x240] =	vst v3  }
0x79: {  	v37 =	vld [tilespmem:s30+$0xFFFFF810];
	[tilespmem:s27+$0x250] =	vst v5  }
0x7a: {  	s31 =	sadd.s32 s31, s24;
	v38 =	vld [tilespmem:s30+$0xFFFFF820];
	[tilespmem:s27+$0x260] =	vst v30  }
0x7b: {  	s29 =	sadd.s32 s29, s31;
	s31 =	sadd.s32 $0x800, s27;
	v39 =	vld [tilespmem:s30+$0xFFFFF830];
	[tilespmem:s27+$0x270] =	vst v31  }
0x7c: {  	v40 =	vld [tilespmem:s30+$0xFFFFF840];
	[tilespmem:s31+$0xFFFFFC00] =	vst v35  }
0x7d: {  	v41 =	vld [tilespmem:s30+$0xFFFFF850];
	[tilespmem:s31+$0xFFFFFC10] =	vst v36  }
0x7e: {  	v42 =	vld [tilespmem:s30+$0xFFFFF860];
	[tilespmem:s31+$0xFFFFFC20] =	vst v37  }
0x7f: {  	v43 =	vld [tilespmem:s30+$0xFFFFFC00];
	[tilespmem:s31+$0xFFFFFC30] =	vst v38  }
0x80: {  	v44 =	vld [tilespmem:s30+$0xFFFFFC10];
	[tilespmem:s31+$0xFFFFFC40] =	vst v39  }
0x81: {  	v45 =	vld [tilespmem:s30+$0xFFFFFC20];
	[tilespmem:s31+$0xFFFFFC50] =	vst v40  }
0x82: {  	v46 =	vld [tilespmem:s30+$0xFFFFFC30];
	[tilespmem:s31+$0xFFFFFC60] =	vst v41  }
0x83: {  	v47 =	vld [tilespmem:s30+$0xFFFFFC40];
	[tilespmem:s31+$0xFFFFFC70] =	vst v42  }
0x84: {  	v48 =	vld [tilespmem:s30+$0xFFFFFC50];
	[tilespmem:s31+$0xFFFFFE10] =	vst v43  }
0x85: {  	v49 =	vld [tilespmem:s30+$0xFFFFFC60];
	[tilespmem:s31+$0xFFFFFE20] =	vst v44  }
0x86: {  	v50 =	vld [tilespmem:s30+$0x0];
	[tilespmem:s31+$0xFFFFFE30] =	vst v45  }
0x87: {  	v51 =	vld [tilespmem:s30+$0x10];
	[tilespmem:s31+$0xFFFFFE40] =	vst v46  }
0x88: {  	v52 =	vld [tilespmem:s30+$0x20];
	[tilespmem:s31+$0xFFFFFE50] =	vst v47  }
0x89: {  	v53 =	vld [tilespmem:s30+$0x30];
	[tilespmem:s31+$0xFFFFFE60] =	vst v48  }
0x8a: {  	v54 =	vld [tilespmem:s30+$0x40];
	[tilespmem:s31+$0xFFFFFE70] =	vst v49  }
0x8b: {  	v55 =	vld [tilespmem:s30+$0x50];
	[tilespmem:s31+$0x10] =	vst v50  }
0x8c: {  	v56 =	vld [tilespmem:s30+$0x60];
	[tilespmem:s31+$0x20] =	vst v51  }
0x8d: {  	v57 =	vld [tilespmem:s30+$0x400];
	[tilespmem:s31+$0x30] =	vst v52  }
0x8e: {  	v58 =	vld [tilespmem:s30+$0x410];
	[tilespmem:s31+$0x40] =	vst v53  }
0x8f: {  	v59 =	vld [tilespmem:s30+$0x420];
	[tilespmem:s31+$0x50] =	vst v54  }
0x90: {  	v60 =	vld [tilespmem:s30+$0x430];
	[tilespmem:s31+$0x60] =	vst v55  }
0x91: {  	v61 =	vld [tilespmem:s30+$0x440];
	[tilespmem:s31+$0x70] =	vst v56  }
0x92: {  	v62 =	vld [tilespmem:s30+$0x450];
	[tilespmem:s31+$0x210] =	vst v57  }
0x93: {  	v63 =	vld [tilespmem:s30+$0x460];
	[tilespmem:s31+$0x220] =	vst v58  }
0x94: {  	v32 =	vld.idx.msk [tilespmem:v0+s29+$0xC00 ss:$0x1], $0xffff;
	[tilespmem:s31+$0x230] =	vst v59  }
0x95: {  	s26 =	sadd.s32 $0x1, s26;
	v33 =	vld.idx.msk [tilespmem:v0+s29+$0x400 ss:$0x1], $0xffff;
	[tilespmem:s31+$0x240] =	vst v60  }
0x96: {  	p0 =	sne.s32 s26, $0x4;
	v34 =	vld.idx.msk [tilespmem:v0+s29+$0x800 ss:$0x1], $0xffff;
	[tilespmem:s31+$0x250] =	vst v61  }
.Ltmp4:
0x97: {  	[tilespmem:s31+$0x260] =	vst v62;
	(pc) =	sbr.rel @p0 .LBB1_3-.Ltmp4, $4  }
0x98: {  	[tilespmem:s31+$0x270] =	vst v63  }
0x99: {  	[tilespmem:s31+$0x200] =	vst v32  }
0x9a: {  	[tilespmem:s31+$0xFFFFFE00] =	vst v33  }
0x9b: {  	s22 =	sadd.s32 $0x80, s22;
	s23 =	sadd.s32 $0x1000, s23;
	[tilespmem:s31+$0x0] =	vst v34  }
0x9c: {  	p0 =	sgt.s32 s13, $0x567;
	s22 =	smov.u32 s13;
	s23 =	sshra.s32 s13, $0x1F  }
0x9d: {  	s22 =	simm.s32 @!p0 $0x567;
	s23 =	sand.u32 s23, s13  }
0x9e: {  	s28 =	ssub.s32 $0x0, s14;
	s22 =	ssub.s32 s22, s23  }
0x9f: {  	s30 =	sshll.u32 s13, $0xA;
	s23 =	smin.u32 s14, s28;
	s24 =	sadd.s32 $0xFFFFFA99, s22  }
0xa0: {  	s22 =	ssub.s32 $0x56F, s22;
	s29 =	sshll.u32 s23, $0x9;
	p0 =	sgt.s32 s24, $0x7  }
0xa1: {  	s22 =	simm.s32 @p0 $0x0;
	p0 =	sgt.s32 s23, $0x3;
	s23 =	ssub.s32 $0x800, s29  }
.Ltmp5:
0xa2: {  	s25 =	sshll.u32 s14, $0x4;
	s23 =	simm.s32 @p0 $0x0;
	(pc) =	sbr.rel .LBB1_7-.Ltmp5, $4  }
0xa3: {  	s31 =	sand.u32 $0x30, s25;
	s24 =	sadd.s32 s3, s30;
	s22 =	smul.u32 s22, s23  }
0xa4: {  	s20 =	sshrl.u32 s20, $0x1;
	s23 =	sadd.s32 s31, s24  }
0xa5: {  	s20 =	sadd.s32 s20, s23;
	s22 =	sand.u32 $0x3FFFFE00, s22  }
0xa6: {  	[hbm4b:s20+s10] =	stream.strided.scatter [tilespmem:s21], [sflag:$0x2], s22, s11, s10, $0x38;
	[tilespmem:$0x10000] =	vst v63  }
.LBB1_8:
0xa7: {  	_ =	sfence.sel $0x180000  }
0xa8: {  	s2 =	simm.s32 $0x1;
	[bflag:$0x0] =	sbarrier.arrive $0xFFFF  }
0xa9: {  	s31 =	simm.s32 $0x2;
	[sflag:s2] =	ssyncpa.u1 $0x1  }
0xaa: {  	[sflag:s31] =	ssyncpa.u1 $0x1  }
0xab: {  	p0 =	sne.s32 s1, $0x0;
	_ =	strace $0x90000047  }
0xac: {  	s0 =	sadd.s32 @!p0 $0x100000, s0;
	[bflag:$0x2] =	sbarrier.arrive $0xFFFF  }
0xad: {  	[sflag:s0] =	ssyncadd.tile.s32 @!p0 $0x1;
	_ =	shalt  }
.Lfunc_end1:
_tile_overlayer_lowered:
.L_overlay_start_2:
0xae: {  	(tag) =	ssettag $0x2  }
0xaf: {  	s0 =	rddreg [dreg:$0x0];
	s2 =	stileid.u32  }
0xb0: {  	s1 =	rddreg [dreg:$0x1];
	p0 =	sne.s32 s2, $0x0  }
0xb1: {  	s3 =	rddreg [dreg:$0x2];
	[bflag:$0x3] =	sbarrier.arrive $0xFFFF;
	s2 =	simm.s32 @!p0 $0x1C01  }
0xb2: {  	[timem:s3], [sflag:s2] =	dma.local @!p0 [hbm:s0], s1  }
0xb3: {  	s0 =	simm.s32 @!p0 $0x1  }
0xb4: {  	_ =	swait.ge @!p0 [sflag:s0], s1  }
0xb5: {  	s1 =	ssub.s32 @!p0 $0x0, s1;
	[sflag:s0] =	ssyncset.done @!p0 $0x0  }
0xb6: {  	[sflag:s0] =	ssyncadd.s32 @!p0 s1  }
0xb7: {  	[bflag:$0x3] =	sbarrier.arrive $0xFFFF  }
0xb8: {  	_ =	shalt  }

</sc_bundles>
